<compile_context>
chip_gen: v7x
topology: tpu7x:2x2x1
jax: 0.10.2.dev20260603
libtpu: 0.0.44.dev20260713+nightly
codegen_flags: <defaults>
</compile_context>

<pallas_src>
import functools

import jax
import jax.numpy as jnp
from jax import lax
from jax.experimental import pallas as pl
from jax.experimental.pallas import tpu as pltpu
from jax.experimental.pallas import tpu_sc as plsc

_EMB = 32


def _transpose_table(table):
    V, D = table.shape
    BKT = 8192
    grid = -(-V // BKT)

    def body(tin_ref, out_ref):
        out_ref[...] = tin_ref[...].T

    return pl.pallas_call(
        body,
        grid=(grid,),
        in_specs=[pl.BlockSpec((D, BKT), lambda i: (0, i))],
        out_specs=pl.BlockSpec((BKT, D), lambda i: (i, 0)),
        out_shape=jax.ShapeDtypeStruct((V, D), jnp.float32),
    )(table.T)


def _sc_gather(table, idx):
    B = idx.shape[0]
    W = table.shape[1]
    info = plsc.get_sparse_core_info()
    nw = info.num_cores * info.num_subcores
    b_per_w = B // nw
    mesh = plsc.VectorSubcoreMesh(core_axis_name="c", subcore_axis_name="s")

    @functools.partial(
        pl.kernel,
        mesh=mesh,
        out_type=jax.ShapeDtypeStruct((B, W), jnp.float32),
        scratch_types=[
            pltpu.VMEM((b_per_w + 16,), jnp.int32),
            pltpu.VMEM((b_per_w, W), jnp.float32),
            pltpu.SemaphoreType.DMA,
        ],
    )
    def gather_kernel(table_hbm, idx_hbm, out_hbm, idx_v, rows_v, sem):
        wid = lax.axis_index("s") * info.num_cores + lax.axis_index("c")
        base = wid * b_per_w
        pltpu.sync_copy(idx_hbm.at[pl.ds(base, b_per_w)],
                        idx_v.at[pl.ds(0, b_per_w)])

        @pl.loop(0, b_per_w, step=16)
        def _(i):
            kv = idx_v[pl.ds(i, 16)]
            for j in range(16):
                pltpu.async_copy(table_hbm.at[pl.ds(kv[j], 1)],
                                 rows_v.at[pl.ds(i + j, 1)], sem)

        pltpu.make_async_copy(table_hbm.at[pl.ds(0, b_per_w)], rows_v,
                              sem).wait()
        pltpu.sync_copy(rows_v, out_hbm.at[pl.ds(base, b_per_w)])

    return gather_kernel(table, idx)


def _mlp_body(sch_ref, g_ref, go_ref, su_ref, me_ref,
              gt_ref, got_ref, sut_ref, met_ref,
              w1_ref, b1_ref, w2_ref, b2_ref, w3_ref, b3_ref, out_ref):
    bk = g_ref.shape[0]
    bf = jnp.bfloat16

    def emb(idx_ref, tab_ref):
        v = tab_ref.shape[0]
        oh_t = (idx_ref[...][None, :] == lax.broadcasted_iota(jnp.int32, (v, bk), 0))
        e = lax.dot_general(oh_t.astype(bf), tab_ref[...].astype(bf),
                            (((0,), (0,)), ((), ())),
                            preferred_element_type=jnp.float32)
        return e.astype(bf)

    x = jnp.concatenate(
        [sch_ref[...].astype(bf), emb(g_ref, gt_ref), emb(go_ref, got_ref),
         emb(su_ref, sut_ref), emb(me_ref, met_ref)], axis=1)
    h = jnp.maximum(
        jnp.dot(x, w1_ref[...].astype(bf), preferred_element_type=jnp.float32)
        + b1_ref[...], 0.0)
    h = jnp.maximum(
        jnp.dot(h.astype(bf), w2_ref[...].astype(bf),
                preferred_element_type=jnp.float32)
        + b2_ref[...], 0.0)
    out_ref[...] = (
        jnp.dot(h.astype(bf), w3_ref[...].astype(bf),
                preferred_element_type=jnp.float32) + b3_ref[...]).T


def _pad_rows(t):
    v = t.shape[0]
    vp = -(-v // 8) * 8
    return jnp.pad(t, ((0, vp - v), (0, 0)))


def _tc_mlp_t(sch, g, go, su, me, gt, got, sut, met,
              W1, b1, W2, b2, W3, b3):
    B, D = sch.shape
    BK = 4096
    grid = B // BK
    H1, H2, DO = W1.shape[1], W2.shape[1], W3.shape[1]

    def blk(i, *_):
        return (i, 0)

    def blkT(i, *_):
        return (0, i)

    def blk1(i, *_):
        return (i,)

    def rep(*_):
        return (0, 0)

    return pl.pallas_call(
        _mlp_body,
        grid=(grid,),
        in_specs=[
            pl.BlockSpec((BK, D), blk),
            pl.BlockSpec((BK,), blk1),
            pl.BlockSpec((BK,), blk1),
            pl.BlockSpec((BK,), blk1),
            pl.BlockSpec((BK,), blk1),
            pl.BlockSpec(gt.shape, rep),
            pl.BlockSpec(got.shape, rep),
            pl.BlockSpec(sut.shape, rep),
            pl.BlockSpec(met.shape, rep),
            pl.BlockSpec(W1.shape, rep),
            pl.BlockSpec((1, H1), rep),
            pl.BlockSpec(W2.shape, rep),
            pl.BlockSpec((1, H2), rep),
            pl.BlockSpec(W3.shape, rep),
            pl.BlockSpec((1, DO), rep),
        ],
        out_specs=pl.BlockSpec((DO, BK), blkT),
        out_shape=jax.ShapeDtypeStruct((DO, B), jnp.float32),
    )(sch, g, go, su, me, gt, got, sut, met,
      W1, b1.reshape(1, H1), W2, b2.reshape(1, H2), W3, b3.reshape(1, DO))


def kernel(school_idx, grade_idx, goal_idx, subject_idx, method_idx,
           school_table, grade_table, goal_table, subject_table, method_table,
           W1, b1, W2, b2, W3, b3):
    sch = _sc_gather(_transpose_table(school_table),
                     school_idx.astype(jnp.int32))
    out_t = _tc_mlp_t(
        sch,
        grade_idx.astype(jnp.int32), goal_idx.astype(jnp.int32),
        subject_idx.astype(jnp.int32), method_idx.astype(jnp.int32),
        _pad_rows(grade_table), _pad_rows(goal_table),
        _pad_rows(subject_table), _pad_rows(method_table),
        W1, b1, W2, b2, W3, b3)
    return out_t.T

# --- scband reference (transcript-rebuilt; emitter-appended) ---
"""Pipeline reference for scband-student-tower-876173328430 (READ-ONLY COPY).

The authoritative reference and input builder live on the scoring server;
editing this copy changes nothing except your own understanding.
"""

import jax, jax.numpy as jnp
import numpy as np

B = 16384
EMB = 32
V_SCHOOL = 100000 + 1
V_GRADE = 12 + 1
V_GOAL = 20 + 1
V_SUBJ = 15 + 1
V_METHOD = 8 + 1


def setup_inputs(seed: int = 0) -> dict:
    key = jax.random.key(seed)
    ks = jax.random.split(key, 16)
    school_idx = jax.random.randint(ks[0], (B,), 0, V_SCHOOL, dtype=jnp.int64 if jax.config.jax_enable_x64 else jnp.int32)
    grade_idx = jax.random.randint(ks[1], (B,), 0, V_GRADE, dtype=jnp.int32)
    goal_idx = jax.random.randint(ks[2], (B,), 0, V_GOAL, dtype=jnp.int32)
    subject_idx = jax.random.randint(ks[3], (B,), 0, V_SUBJ, dtype=jnp.int32)
    method_idx = jax.random.randint(ks[4], (B,), 0, V_METHOD, dtype=jnp.int32)
    school_table = jax.random.normal(ks[5], (V_SCHOOL, EMB), dtype=jnp.float32) * 0.05
    grade_table = jax.random.normal(ks[6], (V_GRADE, EMB), dtype=jnp.float32) * 0.05
    goal_table = jax.random.normal(ks[7], (V_GOAL, EMB), dtype=jnp.float32) * 0.05
    subject_table = jax.random.normal(ks[8], (V_SUBJ, EMB), dtype=jnp.float32) * 0.05
    method_table = jax.random.normal(ks[9], (V_METHOD, EMB), dtype=jnp.float32) * 0.05
    W1 = jax.random.normal(ks[10], (5 * EMB, 256), dtype=jnp.float32) * (1.0 / np.sqrt(5 * EMB))
    b1 = jnp.zeros((256,), dtype=jnp.float32)
    W2 = jax.random.normal(ks[11], (256, 128), dtype=jnp.float32) * (1.0 / np.sqrt(256))
    b2 = jnp.zeros((128,), dtype=jnp.float32)
    W3 = jax.random.normal(ks[12], (128, 32), dtype=jnp.float32) * (1.0 / np.sqrt(128))
    b3 = jnp.zeros((32,), dtype=jnp.float32)
    return {
        'school_idx': school_idx, 'grade_idx': grade_idx, 'goal_idx': goal_idx,
        'subject_idx': subject_idx, 'method_idx': method_idx,
        'school_table': school_table, 'grade_table': grade_table, 'goal_table': goal_table,
        'subject_table': subject_table, 'method_table': method_table,
        'W1': W1, 'b1': b1, 'W2': W2, 'b2': b2, 'W3': W3, 'b3': b3,
    }


def reference(school_idx, grade_idx, goal_idx, subject_idx, method_idx,
              school_table, grade_table, goal_table, subject_table, method_table,
              W1, b1, W2, b2, W3, b3):
    # StringLookup is replaced by precomputed integer indices (same math downstream).
    school_emb = jnp.take(school_table, school_idx, axis=0)
    grade_emb = jnp.take(grade_table, grade_idx, axis=0)
    goal_emb = jnp.take(goal_table, goal_idx, axis=0)
    subject_emb = jnp.take(subject_table, subject_idx, axis=0)
    method_emb = jnp.take(method_table, method_idx, axis=0)
    x = jnp.concatenate([school_emb, grade_emb, goal_emb, subject_emb, method_emb], axis=1)
    h = jax.nn.relu(x @ W1 + b1)
    h = jax.nn.relu(h @ W2 + b2)
    out = h @ W3 + b3
    return out

if __name__ == "__main__":
    import jax
    _d = setup_inputs()
    print(jax.jit(kernel)(*tuple(_d.values())))

</pallas_src>

<mosaic_0001>
#map = affine_map<(d0, d1) -> (0, 0)>
#map1 = affine_map<(d0, d1) -> (0)>
module attributes {stable_mosaic.version = 14 : i64} {
  func.func @gather_kernel(%arg0: i32, %arg1: i32, %arg2: memref<100001x32xf32, #tpu.memory_space<hbm>>, %arg3: memref<16384xi32, #tpu.memory_space<hbm>>, %arg4: memref<16384x32xf32, #tpu.memory_space<hbm>>, %arg5: memref<528xi32, #tpu.memory_space<vmem>>, %arg6: memref<512x32xf32, #tpu.memory_space<vmem>>, %arg7: memref<!tpu.dma_semaphore, #tpu.memory_space<semaphore_mem>>) attributes {dimension_semantics = [#tpu.dimension_semantics<core_parallel>, #tpu.dimension_semantics<subcore_parallel>], iteration_bounds = array<i64: 2, 16>, scalar_prefetch = 0 : i64, scratch_operands = 3 : i64, tpu.core_type = #tpu.core_type<sc_vector_subcore>, window_params = [{transform_indices = #map}, {transform_indices = #map1}, {transform_indices = #map}]} {
    %mul3A = arith.constant 2 : i32
    %mul3A_0 = arith.muli %arg1, %mul3A : i32
    %add3A = arith.addi %mul3A_0, %arg0 : i32
    %mul3A_1 = arith.constant 512 : i32
    %mul3A_2 = arith.muli %add3A, %mul3A_1 : i32
    "tpu.region"() ({
      %run_scoped3A = tpu.sem_alloc : memref<!tpu.dma_semaphore, #tpu.memory_space<semaphore_mem>>
      %dma_start3A = arith.constant 0 : i32
      %dma_start3A_12 = tpu.memref_slice %arg5[%dma_start3A] : memref<528xi32, #tpu.memory_space<vmem>> -> memref<512xi32, #tpu.memory_space<vmem>>
      %dma_start3A_13 = tpu.memref_slice %arg3[%mul3A_2] : memref<16384xi32, #tpu.memory_space<hbm>> -> memref<512xi32, #tpu.memory_space<hbm>>
      %dma_start3A_14 = arith.constant 0 : i32
      %dma_start3A_15 = tpu.memref_slice %arg5[%dma_start3A_14] : memref<528xi32, #tpu.memory_space<vmem>> -> memref<512xi32, #tpu.memory_space<vmem>>
      %dma_start3A_16 = tpu.memref_slice %arg3[%mul3A_2] : memref<16384xi32, #tpu.memory_space<hbm>> -> memref<512xi32, #tpu.memory_space<hbm>>
      tpu.enqueue_dma source(%dma_start3A_16 : memref<512xi32, #tpu.memory_space<hbm>>) target(%dma_start3A_15 : memref<512xi32, #tpu.memory_space<vmem>>) target_semaphore(%run_scoped3A : memref<!tpu.dma_semaphore, #tpu.memory_space<semaphore_mem>>)
      %dma_wait3A_17 = arith.constant 0 : i32
      %dma_wait3A_18 = tpu.memref_slice %arg5[%dma_wait3A_17] : memref<528xi32, #tpu.memory_space<vmem>> -> memref<512xi32, #tpu.memory_space<vmem>>
      %dma_wait3A_19 = tpu.memref_slice %arg3[%mul3A_2] : memref<16384xi32, #tpu.memory_space<hbm>> -> memref<512xi32, #tpu.memory_space<hbm>>
      %dma_wait3A_20 = arith.constant 0 : i32
      %dma_wait3A_21 = tpu.memref_slice %arg5[%dma_wait3A_20] : memref<528xi32, #tpu.memory_space<vmem>> -> memref<512xi32, #tpu.memory_space<vmem>>
      %dma_wait3A_22 = tpu.memref_slice %arg3[%mul3A_2] : memref<16384xi32, #tpu.memory_space<hbm>> -> memref<512xi32, #tpu.memory_space<hbm>>
      tpu.wait_dma2 semaphore(%run_scoped3A : memref<!tpu.dma_semaphore, #tpu.memory_space<semaphore_mem>>) src(%dma_wait3A_22 : memref<512xi32, #tpu.memory_space<hbm>>) dst(%dma_wait3A_21 : memref<512xi32, #tpu.memory_space<vmem>>)
      tpu.yield
    }) : () -> ()
    %scan3A = arith.constant 0 : i32
    %scan3A_3 = arith.constant 32 : i32
    %scan3A_4 = arith.addi %scan3A, %scan3A_3 : i32
    %scan3A_5 = arith.constant 1 : i32
    scf.for %scan3A_12 = %scan3A to %scan3A_4 step %scan3A_5  : i32 {
      %mul3A_13 = arith.constant 16 : i32
      %mul3A_14 = arith.muli %scan3A_12, %mul3A_13 : i32
      %add3A_15 = arith.constant 0 : i32
      %add3A_16 = arith.addi %add3A_15, %mul3A_14 : i32
      %get3A = arith.index_cast %add3A_16 : i32 to index
      %get3A_17 = tpu.vector_load %arg5[%get3A] {strides = array<i32>} : memref<528xi32, #tpu.memory_space<vmem>>, vector<16xi32>,
      %get3A_18 = vector.shape_cast %get3A_17 : vector<16xi32> to vector<16xi32>
      %slice3A = vector.extract_strided_slice %get3A_18 {offsets = [0], sizes = [1], strides = [1]} : vector<16xi32> to vector<1xi32>
      %squeeze3A = vector.extract %slice3A[0] : i32 from vector<1xi32>
      %add3A_19 = arith.constant 0 : i32
      %add3A_20 = arith.addi %add3A_16, %add3A_19 : i32
      %dma_start3A = arith.constant 0 : i32
      %dma_start3A_21 = tpu.memref_slice %arg6[%add3A_20, %dma_start3A] : memref<512x32xf32, #tpu.memory_space<vmem>> -> memref<1x32xf32, #tpu.memory_space<vmem>>
      %dma_start3A_22 = arith.constant 0 : i32
      %dma_start3A_23 = tpu.memref_slice %arg2[%squeeze3A, %dma_start3A_22] : memref<100001x32xf32, #tpu.memory_space<hbm>> -> memref<1x32xf32, #tpu.memory_space<hbm>>
      %dma_start3A_24 = arith.constant 0 : i32
      %dma_start3A_25 = tpu.memref_slice %arg6[%add3A_20, %dma_start3A_24] : memref<512x32xf32, #tpu.memory_space<vmem>> -> memref<1x32xf32, #tpu.memory_space<vmem>>
      %dma_start3A_26 = arith.constant 0 : i32
      %dma_start3A_27 = tpu.memref_slice %arg2[%squeeze3A, %dma_start3A_26] : memref<100001x32xf32, #tpu.memory_space<hbm>> -> memref<1x32xf32, #tpu.memory_space<hbm>>
      tpu.enqueue_dma source(%dma_start3A_27 : memref<1x32xf32, #tpu.memory_space<hbm>>) target(%dma_start3A_25 : memref<1x32xf32, #tpu.memory_space<vmem>>) target_semaphore(%arg7 : memref<!tpu.dma_semaphore, #tpu.memory_space<semaphore_mem>>)
      %slice3A_28 = vector.extract_strided_slice %get3A_18 {offsets = [1], sizes = [1], strides = [1]} : vector<16xi32> to vector<1xi32>
      %squeeze3A_29 = vector.extract %slice3A_28[0] : i32 from vector<1xi32>
      %add3A_30 = arith.constant 1 : i32
      %add3A_31 = arith.addi %add3A_16, %add3A_30 : i32
      %dma_start3A_32 = arith.constant 0 : i32
      %dma_start3A_33 = tpu.memref_slice %arg6[%add3A_31, %dma_start3A_32] : memref<512x32xf32, #tpu.memory_space<vmem>> -> memref<1x32xf32, #tpu.memory_space<vmem>>
      %dma_start3A_34 = arith.constant 0 : i32
      %dma_start3A_35 = tpu.memref_slice %arg2[%squeeze3A_29, %dma_start3A_34] : memref<100001x32xf32, #tpu.memory_space<hbm>> -> memref<1x32xf32, #tpu.memory_space<hbm>>
      %dma_start3A_36 = arith.constant 0 : i32
      %dma_start3A_37 = tpu.memref_slice %arg6[%add3A_31, %dma_start3A_36] : memref<512x32xf32, #tpu.memory_space<vmem>> -> memref<1x32xf32, #tpu.memory_space<vmem>>
      %dma_start3A_38 = arith.constant 0 : i32
      %dma_start3A_39 = tpu.memref_slice %arg2[%squeeze3A_29, %dma_start3A_38] : memref<100001x32xf32, #tpu.memory_space<hbm>> -> memref<1x32xf32, #tpu.memory_space<hbm>>
      tpu.enqueue_dma source(%dma_start3A_39 : memref<1x32xf32, #tpu.memory_space<hbm>>) target(%dma_start3A_37 : memref<1x32xf32, #tpu.memory_space<vmem>>) target_semaphore(%arg7 : memref<!tpu.dma_semaphore, #tpu.memory_space<semaphore_mem>>)
      %slice3A_40 = vector.extract_strided_slice %get3A_18 {offsets = [2], sizes = [1], strides = [1]} : vector<16xi32> to vector<1xi32>
      %squeeze3A_41 = vector.extract %slice3A_40[0] : i32 from vector<1xi32>
      %add3A_42 = arith.constant 2 : i32
      %add3A_43 = arith.addi %add3A_16, %add3A_42 : i32
      %dma_start3A_44 = arith.constant 0 : i32
      %dma_start3A_45 = tpu.memref_slice %arg6[%add3A_43, %dma_start3A_44] : memref<512x32xf32, #tpu.memory_space<vmem>> -> memref<1x32xf32, #tpu.memory_space<vmem>>
      %dma_start3A_46 = arith.constant 0 : i32
      %dma_start3A_47 = tpu.memref_slice %arg2[%squeeze3A_41, %dma_start3A_46] : memref<100001x32xf32, #tpu.memory_space<hbm>> -> memref<1x32xf32, #tpu.memory_space<hbm>>
      %dma_start3A_48 = arith.constant 0 : i32
      %dma_start3A_49 = tpu.memref_slice %arg6[%add3A_43, %dma_start3A_48] : memref<512x32xf32, #tpu.memory_space<vmem>> -> memref<1x32xf32, #tpu.memory_space<vmem>>
      %dma_start3A_50 = arith.constant 0 : i32
      %dma_start3A_51 = tpu.memref_slice %arg2[%squeeze3A_41, %dma_start3A_50] : memref<100001x32xf32, #tpu.memory_space<hbm>> -> memref<1x32xf32, #tpu.memory_space<hbm>>
      tpu.enqueue_dma source(%dma_start3A_51 : memref<1x32xf32, #tpu.memory_space<hbm>>) target(%dma_start3A_49 : memref<1x32xf32, #tpu.memory_space<vmem>>) target_semaphore(%arg7 : memref<!tpu.dma_semaphore, #tpu.memory_space<semaphore_mem>>)
      %slice3A_52 = vector.extract_strided_slice %get3A_18 {offsets = [3], sizes = [1], strides = [1]} : vector<16xi32> to vector<1xi32>
      %squeeze3A_53 = vector.extract %slice3A_52[0] : i32 from vector<1xi32>
      %add3A_54 = arith.constant 3 : i32
      %add3A_55 = arith.addi %add3A_16, %add3A_54 : i32
      %dma_start3A_56 = arith.constant 0 : i32
      %dma_start3A_57 = tpu.memref_slice %arg6[%add3A_55, %dma_start3A_56] : memref<512x32xf32, #tpu.memory_space<vmem>> -> memref<1x32xf32, #tpu.memory_space<vmem>>
      %dma_start3A_58 = arith.constant 0 : i32
      %dma_start3A_59 = tpu.memref_slice %arg2[%squeeze3A_53, %dma_start3A_58] : memref<100001x32xf32, #tpu.memory_space<hbm>> -> memref<1x32xf32, #tpu.memory_space<hbm>>
      %dma_start3A_60 = arith.constant 0 : i32
      %dma_start3A_61 = tpu.memref_slice %arg6[%add3A_55, %dma_start3A_60] : memref<512x32xf32, #tpu.memory_space<vmem>> -> memref<1x32xf32, #tpu.memory_space<vmem>>
      %dma_start3A_62 = arith.constant 0 : i32
      %dma_start3A_63 = tpu.memref_slice %arg2[%squeeze3A_53, %dma_start3A_62] : memref<100001x32xf32, #tpu.memory_space<hbm>> -> memref<1x32xf32, #tpu.memory_space<hbm>>
      tpu.enqueue_dma source(%dma_start3A_63 : memref<1x32xf32, #tpu.memory_space<hbm>>) target(%dma_start3A_61 : memref<1x32xf32, #tpu.memory_space<vmem>>) target_semaphore(%arg7 : memref<!tpu.dma_semaphore, #tpu.memory_space<semaphore_mem>>)
      %slice3A_64 = vector.extract_strided_slice %get3A_18 {offsets = [4], sizes = [1], strides = [1]} : vector<16xi32> to vector<1xi32>
      %squeeze3A_65 = vector.extract %slice3A_64[0] : i32 from vector<1xi32>
      %add3A_66 = arith.constant 4 : i32
      %add3A_67 = arith.addi %add3A_16, %add3A_66 : i32
      %dma_start3A_68 = arith.constant 0 : i32
      %dma_start3A_69 = tpu.memref_slice %arg6[%add3A_67, %dma_start3A_68] : memref<512x32xf32, #tpu.memory_space<vmem>> -> memref<1x32xf32, #tpu.memory_space<vmem>>
      %dma_start3A_70 = arith.constant 0 : i32
      %dma_start3A_71 = tpu.memref_slice %arg2[%squeeze3A_65, %dma_start3A_70] : memref<100001x32xf32, #tpu.memory_space<hbm>> -> memref<1x32xf32, #tpu.memory_space<hbm>>
      %dma_start3A_72 = arith.constant 0 : i32
      %dma_start3A_73 = tpu.memref_slice %arg6[%add3A_67, %dma_start3A_72] : memref<512x32xf32, #tpu.memory_space<vmem>> -> memref<1x32xf32, #tpu.memory_space<vmem>>
      %dma_start3A_74 = arith.constant 0 : i32
      %dma_start3A_75 = tpu.memref_slice %arg2[%squeeze3A_65, %dma_start3A_74] : memref<100001x32xf32, #tpu.memory_space<hbm>> -> memref<1x32xf32, #tpu.memory_space<hbm>>
      tpu.enqueue_dma source(%dma_start3A_75 : memref<1x32xf32, #tpu.memory_space<hbm>>) target(%dma_start3A_73 : memref<1x32xf32, #tpu.memory_space<vmem>>) target_semaphore(%arg7 : memref<!tpu.dma_semaphore, #tpu.memory_space<semaphore_mem>>)
      %slice3A_76 = vector.extract_strided_slice %get3A_18 {offsets = [5], sizes = [1], strides = [1]} : vector<16xi32> to vector<1xi32>
      %squeeze3A_77 = vector.extract %slice3A_76[0] : i32 from vector<1xi32>
      %add3A_78 = arith.constant 5 : i32
      %add3A_79 = arith.addi %add3A_16, %add3A_78 : i32
      %dma_start3A_80 = arith.constant 0 : i32
      %dma_start3A_81 = tpu.memref_slice %arg6[%add3A_79, %dma_start3A_80] : memref<512x32xf32, #tpu.memory_space<vmem>> -> memref<1x32xf32, #tpu.memory_space<vmem>>
      %dma_start3A_82 = arith.constant 0 : i32
      %dma_start3A_83 = tpu.memref_slice %arg2[%squeeze3A_77, %dma_start3A_82] : memref<100001x32xf32, #tpu.memory_space<hbm>> -> memref<1x32xf32, #tpu.memory_space<hbm>>
      %dma_start3A_84 = arith.constant 0 : i32
      %dma_start3A_85 = tpu.memref_slice %arg6[%add3A_79, %dma_start3A_84] : memref<512x32xf32, #tpu.memory_space<vmem>> -> memref<1x32xf32, #tpu.memory_space<vmem>>
      %dma_start3A_86 = arith.constant 0 : i32
      %dma_start3A_87 = tpu.memref_slice %arg2[%squeeze3A_77, %dma_start3A_86] : memref<100001x32xf32, #tpu.memory_space<hbm>> -> memref<1x32xf32, #tpu.memory_space<hbm>>
      tpu.enqueue_dma source(%dma_start3A_87 : memref<1x32xf32, #tpu.memory_space<hbm>>) target(%dma_start3A_85 : memref<1x32xf32, #tpu.memory_space<vmem>>) target_semaphore(%arg7 : memref<!tpu.dma_semaphore, #tpu.memory_space<semaphore_mem>>)
      %slice3A_88 = vector.extract_strided_slice %get3A_18 {offsets = [6], sizes = [1], strides = [1]} : vector<16xi32> to vector<1xi32>
      %squeeze3A_89 = vector.extract %slice3A_88[0] : i32 from vector<1xi32>
      %add3A_90 = arith.constant 6 : i32
      %add3A_91 = arith.addi %add3A_16, %add3A_90 : i32
      %dma_start3A_92 = arith.constant 0 : i32
      %dma_start3A_93 = tpu.memref_slice %arg6[%add3A_91, %dma_start3A_92] : memref<512x32xf32, #tpu.memory_space<vmem>> -> memref<1x32xf32, #tpu.memory_space<vmem>>
      %dma_start3A_94 = arith.constant 0 : i32
      %dma_start3A_95 = tpu.memref_slice %arg2[%squeeze3A_89, %dma_start3A_94] : memref<100001x32xf32, #tpu.memory_space<hbm>> -> memref<1x32xf32, #tpu.memory_space<hbm>>
      %dma_start3A_96 = arith.constant 0 : i32
      %dma_start3A_97 = tpu.memref_slice %arg6[%add3A_91, %dma_start3A_96] : memref<512x32xf32, #tpu.memory_space<vmem>> -> memref<1x32xf32, #tpu.memory_space<vmem>>
      %dma_start3A_98 = arith.constant 0 : i32
      %dma_start3A_99 = tpu.memref_slice %arg2[%squeeze3A_89, %dma_start3A_98] : memref<100001x32xf32, #tpu.memory_space<hbm>> -> memref<1x32xf32, #tpu.memory_space<hbm>>
      tpu.enqueue_dma source(%dma_start3A_99 : memref<1x32xf32, #tpu.memory_space<hbm>>) target(%dma_start3A_97 : memref<1x32xf32, #tpu.memory_space<vmem>>) target_semaphore(%arg7 : memref<!tpu.dma_semaphore, #tpu.memory_space<semaphore_mem>>)
      %slice3A_100 = vector.extract_strided_slice %get3A_18 {offsets = [7], sizes = [1], strides = [1]} : vector<16xi32> to vector<1xi32>
      %squeeze3A_101 = vector.extract %slice3A_100[0] : i32 from vector<1xi32>
      %add3A_102 = arith.constant 7 : i32
      %add3A_103 = arith.addi %add3A_16, %add3A_102 : i32
      %dma_start3A_104 = arith.constant 0 : i32
      %dma_start3A_105 = tpu.memref_slice %arg6[%add3A_103, %dma_start3A_104] : memref<512x32xf32, #tpu.memory_space<vmem>> -> memref<1x32xf32, #tpu.memory_space<vmem>>
      %dma_start3A_106 = arith.constant 0 : i32
      %dma_start3A_107 = tpu.memref_slice %arg2[%squeeze3A_101, %dma_start3A_106] : memref<100001x32xf32, #tpu.memory_space<hbm>> -> memref<1x32xf32, #tpu.memory_space<hbm>>
      %dma_start3A_108 = arith.constant 0 : i32
      %dma_start3A_109 = tpu.memref_slice %arg6[%add3A_103, %dma_start3A_108] : memref<512x32xf32, #tpu.memory_space<vmem>> -> memref<1x32xf32, #tpu.memory_space<vmem>>
      %dma_start3A_110 = arith.constant 0 : i32
      %dma_start3A_111 = tpu.memref_slice %arg2[%squeeze3A_101, %dma_start3A_110] : memref<100001x32xf32, #tpu.memory_space<hbm>> -> memref<1x32xf32, #tpu.memory_space<hbm>>
      tpu.enqueue_dma source(%dma_start3A_111 : memref<1x32xf32, #tpu.memory_space<hbm>>) target(%dma_start3A_109 : memref<1x32xf32, #tpu.memory_space<vmem>>) target_semaphore(%arg7 : memref<!tpu.dma_semaphore, #tpu.memory_space<semaphore_mem>>)
      %slice3A_112 = vector.extract_strided_slice %get3A_18 {offsets = [8], sizes = [1], strides = [1]} : vector<16xi32> to vector<1xi32>
      %squeeze3A_113 = vector.extract %slice3A_112[0] : i32 from vector<1xi32>
      %add3A_114 = arith.constant 8 : i32
      %add3A_115 = arith.addi %add3A_16, %add3A_114 : i32
      %dma_start3A_116 = arith.constant 0 : i32
      %dma_start3A_117 = tpu.memref_slice %arg6[%add3A_115, %dma_start3A_116] : memref<512x32xf32, #tpu.memory_space<vmem>> -> memref<1x32xf32, #tpu.memory_space<vmem>>
      %dma_start3A_118 = arith.constant 0 : i32
      %dma_start3A_119 = tpu.memref_slice %arg2[%squeeze3A_113, %dma_start3A_118] : memref<100001x32xf32, #tpu.memory_space<hbm>> -> memref<1x32xf32, #tpu.memory_space<hbm>>
      %dma_start3A_120 = arith.constant 0 : i32
      %dma_start3A_121 = tpu.memref_slice %arg6[%add3A_115, %dma_start3A_120] : memref<512x32xf32, #tpu.memory_space<vmem>> -> memref<1x32xf32, #tpu.memory_space<vmem>>
      %dma_start3A_122 = arith.constant 0 : i32
      %dma_start3A_123 = tpu.memref_slice %arg2[%squeeze3A_113, %dma_start3A_122] : memref<100001x32xf32, #tpu.memory_space<hbm>> -> memref<1x32xf32, #tpu.memory_space<hbm>>
      tpu.enqueue_dma source(%dma_start3A_123 : memref<1x32xf32, #tpu.memory_space<hbm>>) target(%dma_start3A_121 : memref<1x32xf32, #tpu.memory_space<vmem>>) target_semaphore(%arg7 : memref<!tpu.dma_semaphore, #tpu.memory_space<semaphore_mem>>)
      %slice3A_124 = vector.extract_strided_slice %get3A_18 {offsets = [9], sizes = [1], strides = [1]} : vector<16xi32> to vector<1xi32>
      %squeeze3A_125 = vector.extract %slice3A_124[0] : i32 from vector<1xi32>
      %add3A_126 = arith.constant 9 : i32
      %add3A_127 = arith.addi %add3A_16, %add3A_126 : i32
      %dma_start3A_128 = arith.constant 0 : i32
      %dma_start3A_129 = tpu.memref_slice %arg6[%add3A_127, %dma_start3A_128] : memref<512x32xf32, #tpu.memory_space<vmem>> -> memref<1x32xf32, #tpu.memory_space<vmem>>
      %dma_start3A_130 = arith.constant 0 : i32
      %dma_start3A_131 = tpu.memref_slice %arg2[%squeeze3A_125, %dma_start3A_130] : memref<100001x32xf32, #tpu.memory_space<hbm>> -> memref<1x32xf32, #tpu.memory_space<hbm>>
      %dma_start3A_132 = arith.constant 0 : i32
      %dma_start3A_133 = tpu.memref_slice %arg6[%add3A_127, %dma_start3A_132] : memref<512x32xf32, #tpu.memory_space<vmem>> -> memref<1x32xf32, #tpu.memory_space<vmem>>
      %dma_start3A_134 = arith.constant 0 : i32
      %dma_start3A_135 = tpu.memref_slice %arg2[%squeeze3A_125, %dma_start3A_134] : memref<100001x32xf32, #tpu.memory_space<hbm>> -> memref<1x32xf32, #tpu.memory_space<hbm>>
      tpu.enqueue_dma source(%dma_start3A_135 : memref<1x32xf32, #tpu.memory_space<hbm>>) target(%dma_start3A_133 : memref<1x32xf32, #tpu.memory_space<vmem>>) target_semaphore(%arg7 : memref<!tpu.dma_semaphore, #tpu.memory_space<semaphore_mem>>)
      %slice3A_136 = vector.extract_strided_slice %get3A_18 {offsets = [10], sizes = [1], strides = [1]} : vector<16xi32> to vector<1xi32>
      %squeeze3A_137 = vector.extract %slice3A_136[0] : i32 from vector<1xi32>
      %add3A_138 = arith.constant 10 : i32
      %add3A_139 = arith.addi %add3A_16, %add3A_138 : i32
      %dma_start3A_140 = arith.constant 0 : i32
      %dma_start3A_141 = tpu.memref_slice %arg6[%add3A_139, %dma_start3A_140] : memref<512x32xf32, #tpu.memory_space<vmem>> -> memref<1x32xf32, #tpu.memory_space<vmem>>
      %dma_start3A_142 = arith.constant 0 : i32
      %dma_start3A_143 = tpu.memref_slice %arg2[%squeeze3A_137, %dma_start3A_142] : memref<100001x32xf32, #tpu.memory_space<hbm>> -> memref<1x32xf32, #tpu.memory_space<hbm>>
      %dma_start3A_144 = arith.constant 0 : i32
      %dma_start3A_145 = tpu.memref_slice %arg6[%add3A_139, %dma_start3A_144] : memref<512x32xf32, #tpu.memory_space<vmem>> -> memref<1x32xf32, #tpu.memory_space<vmem>>
      %dma_start3A_146 = arith.constant 0 : i32
      %dma_start3A_147 = tpu.memref_slice %arg2[%squeeze3A_137, %dma_start3A_146] : memref<100001x32xf32, #tpu.memory_space<hbm>> -> memref<1x32xf32, #tpu.memory_space<hbm>>
      tpu.enqueue_dma source(%dma_start3A_147 : memref<1x32xf32, #tpu.memory_space<hbm>>) target(%dma_start3A_145 : memref<1x32xf32, #tpu.memory_space<vmem>>) target_semaphore(%arg7 : memref<!tpu.dma_semaphore, #tpu.memory_space<semaphore_mem>>)
      %slice3A_148 = vector.extract_strided_slice %get3A_18 {offsets = [11], sizes = [1], strides = [1]} : vector<16xi32> to vector<1xi32>
      %squeeze3A_149 = vector.extract %slice3A_148[0] : i32 from vector<1xi32>
      %add3A_150 = arith.constant 11 : i32
      %add3A_151 = arith.addi %add3A_16, %add3A_150 : i32
      %dma_start3A_152 = arith.constant 0 : i32
      %dma_start3A_153 = tpu.memref_slice %arg6[%add3A_151, %dma_start3A_152] : memref<512x32xf32, #tpu.memory_space<vmem>> -> memref<1x32xf32, #tpu.memory_space<vmem>>
      %dma_start3A_154 = arith.constant 0 : i32
      %dma_start3A_155 = tpu.memref_slice %arg2[%squeeze3A_149, %dma_start3A_154] : memref<100001x32xf32, #tpu.memory_space<hbm>> -> memref<1x32xf32, #tpu.memory_space<hbm>>
      %dma_start3A_156 = arith.constant 0 : i32
      %dma_start3A_157 = tpu.memref_slice %arg6[%add3A_151, %dma_start3A_156] : memref<512x32xf32, #tpu.memory_space<vmem>> -> memref<1x32xf32, #tpu.memory_space<vmem>>
      %dma_start3A_158 = arith.constant 0 : i32
      %dma_start3A_159 = tpu.memref_slice %arg2[%squeeze3A_149, %dma_start3A_158] : memref<100001x32xf32, #tpu.memory_space<hbm>> -> memref<1x32xf32, #tpu.memory_space<hbm>>
      tpu.enqueue_dma source(%dma_start3A_159 : memref<1x32xf32, #tpu.memory_space<hbm>>) target(%dma_start3A_157 : memref<1x32xf32, #tpu.memory_space<vmem>>) target_semaphore(%arg7 : memref<!tpu.dma_semaphore, #tpu.memory_space<semaphore_mem>>)
      %slice3A_160 = vector.extract_strided_slice %get3A_18 {offsets = [12], sizes = [1], strides = [1]} : vector<16xi32> to vector<1xi32>
      %squeeze3A_161 = vector.extract %slice3A_160[0] : i32 from vector<1xi32>
      %add3A_162 = arith.constant 12 : i32
      %add3A_163 = arith.addi %add3A_16, %add3A_162 : i32
      %dma_start3A_164 = arith.constant 0 : i32
      %dma_start3A_165 = tpu.memref_slice %arg6[%add3A_163, %dma_start3A_164] : memref<512x32xf32, #tpu.memory_space<vmem>> -> memref<1x32xf32, #tpu.memory_space<vmem>>
      %dma_start3A_166 = arith.constant 0 : i32
      %dma_start3A_167 = tpu.memref_slice %arg2[%squeeze3A_161, %dma_start3A_166] : memref<100001x32xf32, #tpu.memory_space<hbm>> -> memref<1x32xf32, #tpu.memory_space<hbm>>
      %dma_start3A_168 = arith.constant 0 : i32
      %dma_start3A_169 = tpu.memref_slice %arg6[%add3A_163, %dma_start3A_168] : memref<512x32xf32, #tpu.memory_space<vmem>> -> memref<1x32xf32, #tpu.memory_space<vmem>>
      %dma_start3A_170 = arith.constant 0 : i32
      %dma_start3A_171 = tpu.memref_slice %arg2[%squeeze3A_161, %dma_start3A_170] : memref<100001x32xf32, #tpu.memory_space<hbm>> -> memref<1x32xf32, #tpu.memory_space<hbm>>
      tpu.enqueue_dma source(%dma_start3A_171 : memref<1x32xf32, #tpu.memory_space<hbm>>) target(%dma_start3A_169 : memref<1x32xf32, #tpu.memory_space<vmem>>) target_semaphore(%arg7 : memref<!tpu.dma_semaphore, #tpu.memory_space<semaphore_mem>>)
      %slice3A_172 = vector.extract_strided_slice %get3A_18 {offsets = [13], sizes = [1], strides = [1]} : vector<16xi32> to vector<1xi32>
      %squeeze3A_173 = vector.extract %slice3A_172[0] : i32 from vector<1xi32>
      %add3A_174 = arith.constant 13 : i32
      %add3A_175 = arith.addi %add3A_16, %add3A_174 : i32
      %dma_start3A_176 = arith.constant 0 : i32
      %dma_start3A_177 = tpu.memref_slice %arg6[%add3A_175, %dma_start3A_176] : memref<512x32xf32, #tpu.memory_space<vmem>> -> memref<1x32xf32, #tpu.memory_space<vmem>>
      %dma_start3A_178 = arith.constant 0 : i32
      %dma_start3A_179 = tpu.memref_slice %arg2[%squeeze3A_173, %dma_start3A_178] : memref<100001x32xf32, #tpu.memory_space<hbm>> -> memref<1x32xf32, #tpu.memory_space<hbm>>
      %dma_start3A_180 = arith.constant 0 : i32
      %dma_start3A_181 = tpu.memref_slice %arg6[%add3A_175, %dma_start3A_180] : memref<512x32xf32, #tpu.memory_space<vmem>> -> memref<1x32xf32, #tpu.memory_space<vmem>>
      %dma_start3A_182 = arith.constant 0 : i32
      %dma_start3A_183 = tpu.memref_slice %arg2[%squeeze3A_173, %dma_start3A_182] : memref<100001x32xf32, #tpu.memory_space<hbm>> -> memref<1x32xf32, #tpu.memory_space<hbm>>
      tpu.enqueue_dma source(%dma_start3A_183 : memref<1x32xf32, #tpu.memory_space<hbm>>) target(%dma_start3A_181 : memref<1x32xf32, #tpu.memory_space<vmem>>) target_semaphore(%arg7 : memref<!tpu.dma_semaphore, #tpu.memory_space<semaphore_mem>>)
      %slice3A_184 = vector.extract_strided_slice %get3A_18 {offsets = [14], sizes = [1], strides = [1]} : vector<16xi32> to vector<1xi32>
      %squeeze3A_185 = vector.extract %slice3A_184[0] : i32 from vector<1xi32>
      %add3A_186 = arith.constant 14 : i32
      %add3A_187 = arith.addi %add3A_16, %add3A_186 : i32
      %dma_start3A_188 = arith.constant 0 : i32
      %dma_start3A_189 = tpu.memref_slice %arg6[%add3A_187, %dma_start3A_188] : memref<512x32xf32, #tpu.memory_space<vmem>> -> memref<1x32xf32, #tpu.memory_space<vmem>>
      %dma_start3A_190 = arith.constant 0 : i32
      %dma_start3A_191 = tpu.memref_slice %arg2[%squeeze3A_185, %dma_start3A_190] : memref<100001x32xf32, #tpu.memory_space<hbm>> -> memref<1x32xf32, #tpu.memory_space<hbm>>
      %dma_start3A_192 = arith.constant 0 : i32
      %dma_start3A_193 = tpu.memref_slice %arg6[%add3A_187, %dma_start3A_192] : memref<512x32xf32, #tpu.memory_space<vmem>> -> memref<1x32xf32, #tpu.memory_space<vmem>>
      %dma_start3A_194 = arith.constant 0 : i32
      %dma_start3A_195 = tpu.memref_slice %arg2[%squeeze3A_185, %dma_start3A_194] : memref<100001x32xf32, #tpu.memory_space<hbm>> -> memref<1x32xf32, #tpu.memory_space<hbm>>
      tpu.enqueue_dma source(%dma_start3A_195 : memref<1x32xf32, #tpu.memory_space<hbm>>) target(%dma_start3A_193 : memref<1x32xf32, #tpu.memory_space<vmem>>) target_semaphore(%arg7 : memref<!tpu.dma_semaphore, #tpu.memory_space<semaphore_mem>>)
      %slice3A_196 = vector.extract_strided_slice %get3A_18 {offsets = [15], sizes = [1], strides = [1]} : vector<16xi32> to vector<1xi32>
      %squeeze3A_197 = vector.extract %slice3A_196[0] : i32 from vector<1xi32>
      %add3A_198 = arith.constant 15 : i32
      %add3A_199 = arith.addi %add3A_16, %add3A_198 : i32
      %dma_start3A_200 = arith.constant 0 : i32
      %dma_start3A_201 = tpu.memref_slice %arg6[%add3A_199, %dma_start3A_200] : memref<512x32xf32, #tpu.memory_space<vmem>> -> memref<1x32xf32, #tpu.memory_space<vmem>>
      %dma_start3A_202 = arith.constant 0 : i32
      %dma_start3A_203 = tpu.memref_slice %arg2[%squeeze3A_197, %dma_start3A_202] : memref<100001x32xf32, #tpu.memory_space<hbm>> -> memref<1x32xf32, #tpu.memory_space<hbm>>
      %dma_start3A_204 = arith.constant 0 : i32
      %dma_start3A_205 = tpu.memref_slice %arg6[%add3A_199, %dma_start3A_204] : memref<512x32xf32, #tpu.memory_space<vmem>> -> memref<1x32xf32, #tpu.memory_space<vmem>>
      %dma_start3A_206 = arith.constant 0 : i32
      %dma_start3A_207 = tpu.memref_slice %arg2[%squeeze3A_197, %dma_start3A_206] : memref<100001x32xf32, #tpu.memory_space<hbm>> -> memref<1x32xf32, #tpu.memory_space<hbm>>
      tpu.enqueue_dma source(%dma_start3A_207 : memref<1x32xf32, #tpu.memory_space<hbm>>) target(%dma_start3A_205 : memref<1x32xf32, #tpu.memory_space<vmem>>) target_semaphore(%arg7 : memref<!tpu.dma_semaphore, #tpu.memory_space<semaphore_mem>>)
    }
    %scan3A_6 = arith.constant 32 : i32
    %dma_wait3A = arith.constant 0 : i32
    %dma_wait3A_7 = arith.constant 0 : i32
    %dma_wait3A_8 = tpu.memref_slice %arg2[%dma_wait3A, %dma_wait3A_7] : memref<100001x32xf32, #tpu.memory_space<hbm>> -> memref<512x32xf32, #tpu.memory_space<hbm>>
    %dma_wait3A_9 = arith.constant 0 : i32
    %dma_wait3A_10 = arith.constant 0 : i32
    %dma_wait3A_11 = tpu.memref_slice %arg2[%dma_wait3A_9, %dma_wait3A_10] : memref<100001x32xf32, #tpu.memory_space<hbm>> -> memref<512x32xf32, #tpu.memory_space<hbm>>
    tpu.wait_dma2 semaphore(%arg7 : memref<!tpu.dma_semaphore, #tpu.memory_space<semaphore_mem>>) src(%dma_wait3A_11 : memref<512x32xf32, #tpu.memory_space<hbm>>) dst(%arg6 : memref<512x32xf32, #tpu.memory_space<vmem>>)
    "tpu.region"() ({
      %run_scoped3A = tpu.sem_alloc : memref<!tpu.dma_semaphore, #tpu.memory_space<semaphore_mem>>
      %dma_start3A = arith.constant 0 : i32
      %dma_start3A_12 = tpu.memref_slice %arg4[%mul3A_2, %dma_start3A] : memref<16384x32xf32, #tpu.memory_space<hbm>> -> memref<512x32xf32, #tpu.memory_space<hbm>>
      %dma_start3A_13 = arith.constant 0 : i32
      %dma_start3A_14 = tpu.memref_slice %arg4[%mul3A_2, %dma_start3A_13] : memref<16384x32xf32, #tpu.memory_space<hbm>> -> memref<512x32xf32, #tpu.memory_space<hbm>>
      tpu.enqueue_dma source(%arg6 : memref<512x32xf32, #tpu.memory_space<vmem>>) target(%dma_start3A_14 : memref<512x32xf32, #tpu.memory_space<hbm>>) target_semaphore(%run_scoped3A : memref<!tpu.dma_semaphore, #tpu.memory_space<semaphore_mem>>)
      %dma_wait3A_15 = arith.constant 0 : i32
      %dma_wait3A_16 = tpu.memref_slice %arg4[%mul3A_2, %dma_wait3A_15] : memref<16384x32xf32, #tpu.memory_space<hbm>> -> memref<512x32xf32, #tpu.memory_space<hbm>>
      %dma_wait3A_17 = arith.constant 0 : i32
      %dma_wait3A_18 = tpu.memref_slice %arg4[%mul3A_2, %dma_wait3A_17] : memref<16384x32xf32, #tpu.memory_space<hbm>> -> memref<512x32xf32, #tpu.memory_space<hbm>>
      tpu.wait_dma2 semaphore(%run_scoped3A : memref<!tpu.dma_semaphore, #tpu.memory_space<semaphore_mem>>) src(%arg6 : memref<512x32xf32, #tpu.memory_space<vmem>>) dst(%dma_wait3A_18 : memref<512x32xf32, #tpu.memory_space<hbm>>)
      tpu.yield
    }) : () -> ()
    return
  }
}

module attributes {stable_mosaic.version = 14 : i64} {
  func.func @body(%arg0: i32, %arg1: memref<32x8192xf32, #tpu.memory_space<vmem>>, %arg2: memref<8192x32xf32, #tpu.memory_space<vmem>>) attributes {dimension_semantics = [#tpu.dimension_semantics<arbitrary>], iteration_bounds = array<i64: 13>, scalar_prefetch = 0 : i64, scratch_operands = 0 : i64, tpu.core_type = #tpu.core_type<tc>, window_params = [{transform_indices = @transform_0, window_bounds = array<i64: 32, 8192>}, {transform_indices = @transform_1, window_bounds = array<i64: 8192, 32>}]} {
    %get3A = arith.constant 0 : index
    %get3A_0 = arith.constant 0 : index
    %get3A_1 = vector.load %arg1[%get3A, %get3A_0] : memref<32x8192xf32, #tpu.memory_space<vmem>>, vector<32x8192xf32>
    %transpose3A = tpu.transpose %get3A_1, [1, 0] : vector<32x8192xf32> -> vector<8192x32xf32>
    %swap3A = arith.constant 0 : index
    %swap3A_2 = arith.constant 0 : index
    %swap3A_3 = vector.load %arg2[%swap3A, %swap3A_2] : memref<8192x32xf32, #tpu.memory_space<vmem>>, vector<8192x32xf32>
    tpu.vector_store %arg2[%swap3A, %swap3A_2], %transpose3A {strides = array<i32>} : memref<8192x32xf32, #tpu.memory_space<vmem>>, vector<8192x32xf32>,
    return
  }
  func.func @transform_0(%arg0: i32) -> (i32, i32) {
    %c0_i32 = arith.constant 0 : i32
    %c0_i32_0 = arith.constant 0 : i32
    return %c0_i32, %arg0 : i32, i32
  }
  func.func @transform_1(%arg0: i32) -> (i32, i32) {
    %c0_i32 = arith.constant 0 : i32
    %c0_i32_0 = arith.constant 0 : i32
    return %arg0, %c0_i32 : i32, i32
  }
}

module attributes {stable_mosaic.version = 14 : i64} {
  func.func @_mlp_body(%arg0: i32, %arg1: memref<4096x32xf32, #tpu.memory_space<vmem>>, %arg2: memref<4096xi32, #tpu.memory_space<vmem>>, %arg3: memref<4096xi32, #tpu.memory_space<vmem>>, %arg4: memref<4096xi32, #tpu.memory_space<vmem>>, %arg5: memref<4096xi32, #tpu.memory_space<vmem>>, %arg6: memref<16x32xf32, #tpu.memory_space<vmem>>, %arg7: memref<24x32xf32, #tpu.memory_space<vmem>>, %arg8: memref<16x32xf32, #tpu.memory_space<vmem>>, %arg9: memref<16x32xf32, #tpu.memory_space<vmem>>, %arg10: memref<160x256xf32, #tpu.memory_space<vmem>>, %arg11: memref<1x256xf32, #tpu.memory_space<vmem>>, %arg12: memref<256x128xf32, #tpu.memory_space<vmem>>, %arg13: memref<1x128xf32, #tpu.memory_space<vmem>>, %arg14: memref<128x32xf32, #tpu.memory_space<vmem>>, %arg15: memref<1x32xf32, #tpu.memory_space<vmem>>, %arg16: memref<32x4096xf32, #tpu.memory_space<vmem>>) attributes {dimension_semantics = [#tpu.dimension_semantics<arbitrary>], iteration_bounds = array<i64: 4>, scalar_prefetch = 0 : i64, scratch_operands = 0 : i64, tpu.core_type = #tpu.core_type<tc>, window_params = [{transform_indices = @transform_0, window_bounds = array<i64: 4096, 32>}, {transform_indices = @transform_1, window_bounds = array<i64: 4096>}, {transform_indices = @transform_2, window_bounds = array<i64: 4096>}, {transform_indices = @transform_3, window_bounds = array<i64: 4096>}, {transform_indices = @transform_4, window_bounds = array<i64: 4096>}, {pipeline_mode = #tpu.pipeline_mode<synchronous>, transform_indices = @transform_5, window_bounds = array<i64: 16, 32>}, {pipeline_mode = #tpu.pipeline_mode<synchronous>, transform_indices = @transform_6, window_bounds = array<i64: 24, 32>}, {pipeline_mode = #tpu.pipeline_mode<synchronous>, transform_indices = @transform_7, window_bounds = array<i64: 16, 32>}, {pipeline_mode = #tpu.pipeline_mode<synchronous>, transform_indices = @transform_8, window_bounds = array<i64: 16, 32>}, {pipeline_mode = #tpu.pipeline_mode<synchronous>, transform_indices = @transform_9, window_bounds = array<i64: 160, 256>}, {pipeline_mode = #tpu.pipeline_mode<synchronous>, transform_indices = @transform_10, window_bounds = array<i64: 1, 256>}, {pipeline_mode = #tpu.pipeline_mode<synchronous>, transform_indices = @transform_11, window_bounds = array<i64: 256, 128>}, {pipeline_mode = #tpu.pipeline_mode<synchronous>, transform_indices = @transform_12, window_bounds = array<i64: 1, 128>}, {pipeline_mode = #tpu.pipeline_mode<synchronous>, transform_indices = @transform_13, window_bounds = array<i64: 128, 32>}, {pipeline_mode = #tpu.pipeline_mode<synchronous>, transform_indices = @transform_14, window_bounds = array<i64: 1, 32>}, {transform_indices = @transform_15, window_bounds = array<i64: 32, 4096>}]} {
    %get3A = arith.constant 0 : index
    %get3A_0 = arith.constant 0 : index
    %get3A_1 = vector.load %arg1[%get3A, %get3A_0] : memref<4096x32xf32, #tpu.memory_space<vmem>>, vector<4096x32xf32>
    %convert_element_type3A = arith.truncf %get3A_1 : vector<4096x32xf32> to vector<4096x32xbf16>
    %get3A_2 = arith.constant 0 : index
    %get3A_3 = vector.load %arg2[%get3A_2] : memref<4096xi32, #tpu.memory_space<vmem>>, vector<4096xi32>
    %broadcast_in_dim3A = vector.shape_cast %get3A_3 : vector<4096xi32> to vector<1x4096xi32>
    %iota3A = tpu.iota {dimensions = array<i32: 0>} : vector<16x4096xi32>
    %eq3A = vector.broadcast %broadcast_in_dim3A : vector<1x4096xi32> to vector<16x4096xi32>
    %eq3A_4 = arith.cmpi eq, %eq3A, %iota3A : vector<16x4096xi32>
    %convert_element_type3A_5 = arith.extui %eq3A_4 : vector<16x4096xi1> to vector<16x4096xi32>
    %convert_element_type3A_6 = arith.sitofp %convert_element_type3A_5 : vector<16x4096xi32> to vector<16x4096xf32>
    %convert_element_type3A_7 = arith.truncf %convert_element_type3A_6 : vector<16x4096xf32> to vector<16x4096xbf16>
    %get3A_8 = arith.constant 0 : index
    %get3A_9 = arith.constant 0 : index
    %get3A_10 = vector.load %arg6[%get3A_8, %get3A_9] : memref<16x32xf32, #tpu.memory_space<vmem>>, vector<16x32xf32>
    %convert_element_type3A_11 = arith.truncf %get3A_10 : vector<16x32xf32> to vector<16x32xbf16>
    %dot_general3A = arith.constant dense<0.000000e+00> : vector<4096x32xf32>
    %dot_general3A_12 = tpu.matmul %convert_element_type3A_7, %convert_element_type3A_11, %dot_general3A {dimension_numbers = #tpu.dot_dimension_numbers<[0], [0], [1], [1], [0, 1, 1, 1], [], []>, transpose_lhs_hint = false} : vector<16x4096xbf16>, vector<16x32xbf16>, vector<4096x32xf32> -> vector<4096x32xf32>
    %convert_element_type3A_13 = arith.truncf %dot_general3A_12 : vector<4096x32xf32> to vector<4096x32xbf16>
    %get3A_14 = arith.constant 0 : index
    %get3A_15 = vector.load %arg3[%get3A_14] : memref<4096xi32, #tpu.memory_space<vmem>>, vector<4096xi32>
    %broadcast_in_dim3A_16 = vector.shape_cast %get3A_15 : vector<4096xi32> to vector<1x4096xi32>
    %iota3A_17 = tpu.iota {dimensions = array<i32: 0>} : vector<24x4096xi32>
    %eq3A_18 = vector.broadcast %broadcast_in_dim3A_16 : vector<1x4096xi32> to vector<24x4096xi32>
    %eq3A_19 = arith.cmpi eq, %eq3A_18, %iota3A_17 : vector<24x4096xi32>
    %convert_element_type3A_20 = arith.extui %eq3A_19 : vector<24x4096xi1> to vector<24x4096xi32>
    %convert_element_type3A_21 = arith.sitofp %convert_element_type3A_20 : vector<24x4096xi32> to vector<24x4096xf32>
    %convert_element_type3A_22 = arith.truncf %convert_element_type3A_21 : vector<24x4096xf32> to vector<24x4096xbf16>
    %get3A_23 = arith.constant 0 : index
    %get3A_24 = arith.constant 0 : index
    %get3A_25 = vector.load %arg7[%get3A_23, %get3A_24] : memref<24x32xf32, #tpu.memory_space<vmem>>, vector<24x32xf32>
    %convert_element_type3A_26 = arith.truncf %get3A_25 : vector<24x32xf32> to vector<24x32xbf16>
    %dot_general3A_27 = arith.constant dense<0.000000e+00> : vector<4096x32xf32>
    %dot_general3A_28 = tpu.matmul %convert_element_type3A_22, %convert_element_type3A_26, %dot_general3A_27 {dimension_numbers = #tpu.dot_dimension_numbers<[0], [0], [1], [1], [0, 1, 1, 1], [], []>, transpose_lhs_hint = false} : vector<24x4096xbf16>, vector<24x32xbf16>, vector<4096x32xf32> -> vector<4096x32xf32>
    %convert_element_type3A_29 = arith.truncf %dot_general3A_28 : vector<4096x32xf32> to vector<4096x32xbf16>
    %get3A_30 = arith.constant 0 : index
    %get3A_31 = vector.load %arg4[%get3A_30] : memref<4096xi32, #tpu.memory_space<vmem>>, vector<4096xi32>
    %broadcast_in_dim3A_32 = vector.shape_cast %get3A_31 : vector<4096xi32> to vector<1x4096xi32>
    %iota3A_33 = tpu.iota {dimensions = array<i32: 0>} : vector<16x4096xi32>
    %eq3A_34 = vector.broadcast %broadcast_in_dim3A_32 : vector<1x4096xi32> to vector<16x4096xi32>
    %eq3A_35 = arith.cmpi eq, %eq3A_34, %iota3A_33 : vector<16x4096xi32>
    %convert_element_type3A_36 = arith.extui %eq3A_35 : vector<16x4096xi1> to vector<16x4096xi32>
    %convert_element_type3A_37 = arith.sitofp %convert_element_type3A_36 : vector<16x4096xi32> to vector<16x4096xf32>
    %convert_element_type3A_38 = arith.truncf %convert_element_type3A_37 : vector<16x4096xf32> to vector<16x4096xbf16>
    %get3A_39 = arith.constant 0 : index
    %get3A_40 = arith.constant 0 : index
    %get3A_41 = vector.load %arg8[%get3A_39, %get3A_40] : memref<16x32xf32, #tpu.memory_space<vmem>>, vector<16x32xf32>
    %convert_element_type3A_42 = arith.truncf %get3A_41 : vector<16x32xf32> to vector<16x32xbf16>
    %dot_general3A_43 = arith.constant dense<0.000000e+00> : vector<4096x32xf32>
    %dot_general3A_44 = tpu.matmul %convert_element_type3A_38, %convert_element_type3A_42, %dot_general3A_43 {dimension_numbers = #tpu.dot_dimension_numbers<[0], [0], [1], [1], [0, 1, 1, 1], [], []>, transpose_lhs_hint = false} : vector<16x4096xbf16>, vector<16x32xbf16>, vector<4096x32xf32> -> vector<4096x32xf32>
    %convert_element_type3A_45 = arith.truncf %dot_general3A_44 : vector<4096x32xf32> to vector<4096x32xbf16>
    %get3A_46 = arith.constant 0 : index
    %get3A_47 = vector.load %arg5[%get3A_46] : memref<4096xi32, #tpu.memory_space<vmem>>, vector<4096xi32>
    %broadcast_in_dim3A_48 = vector.shape_cast %get3A_47 : vector<4096xi32> to vector<1x4096xi32>
    %iota3A_49 = tpu.iota {dimensions = array<i32: 0>} : vector<16x4096xi32>
    %eq3A_50 = vector.broadcast %broadcast_in_dim3A_48 : vector<1x4096xi32> to vector<16x4096xi32>
    %eq3A_51 = arith.cmpi eq, %eq3A_50, %iota3A_49 : vector<16x4096xi32>
    %convert_element_type3A_52 = arith.extui %eq3A_51 : vector<16x4096xi1> to vector<16x4096xi32>
    %convert_element_type3A_53 = arith.sitofp %convert_element_type3A_52 : vector<16x4096xi32> to vector<16x4096xf32>
    %convert_element_type3A_54 = arith.truncf %convert_element_type3A_53 : vector<16x4096xf32> to vector<16x4096xbf16>
    %get3A_55 = arith.constant 0 : index
    %get3A_56 = arith.constant 0 : index
    %get3A_57 = vector.load %arg9[%get3A_55, %get3A_56] : memref<16x32xf32, #tpu.memory_space<vmem>>, vector<16x32xf32>
    %convert_element_type3A_58 = arith.truncf %get3A_57 : vector<16x32xf32> to vector<16x32xbf16>
    %dot_general3A_59 = arith.constant dense<0.000000e+00> : vector<4096x32xf32>
    %dot_general3A_60 = tpu.matmul %convert_element_type3A_54, %convert_element_type3A_58, %dot_general3A_59 {dimension_numbers = #tpu.dot_dimension_numbers<[0], [0], [1], [1], [0, 1, 1, 1], [], []>, transpose_lhs_hint = false} : vector<16x4096xbf16>, vector<16x32xbf16>, vector<4096x32xf32> -> vector<4096x32xf32>
    %convert_element_type3A_61 = arith.truncf %dot_general3A_60 : vector<4096x32xf32> to vector<4096x32xbf16>
    %concatenate3A = tpu.concatenate %convert_element_type3A, %convert_element_type3A_13, %convert_element_type3A_29, %convert_element_type3A_45, %convert_element_type3A_61 in 1 : vector<4096x32xbf16>, vector<4096x32xbf16>, vector<4096x32xbf16>, vector<4096x32xbf16>, vector<4096x32xbf16> -> vector<4096x160xbf16>
    %get3A_62 = arith.constant 0 : index
    %get3A_63 = arith.constant 0 : index
    %get3A_64 = vector.load %arg10[%get3A_62, %get3A_63] : memref<160x256xf32, #tpu.memory_space<vmem>>, vector<160x256xf32>
    %convert_element_type3A_65 = arith.truncf %get3A_64 : vector<160x256xf32> to vector<160x256xbf16>
    %dot_general3A_66 = arith.constant dense<0.000000e+00> : vector<4096x256xf32>
    %dot_general3A_67 = tpu.matmul %concatenate3A, %convert_element_type3A_65, %dot_general3A_66 {dimension_numbers = #tpu.dot_dimension_numbers<[1], [0], [0], [1], [0, 0, 1, 1], [], []>, transpose_lhs_hint = false} : vector<4096x160xbf16>, vector<160x256xbf16>, vector<4096x256xf32> -> vector<4096x256xf32>
    %get3A_68 = arith.constant 0 : index
    %get3A_69 = arith.constant 0 : index
    %get3A_70 = vector.load %arg11[%get3A_68, %get3A_69] : memref<1x256xf32, #tpu.memory_space<vmem>>, vector<1x256xf32>
    %add3A = vector.broadcast %get3A_70 : vector<1x256xf32> to vector<4096x256xf32>
    %add3A_71 = arith.addf %dot_general3A_67, %add3A : vector<4096x256xf32>
    %max3A = arith.constant 0.000000e+00 : f32
    %max3A_72 = vector.broadcast %max3A : f32 to vector<4096x256xf32>
    %max3A_73 = arith.maximumf %add3A_71, %max3A_72 : vector<4096x256xf32>
    %convert_element_type3A_74 = arith.truncf %max3A_73 : vector<4096x256xf32> to vector<4096x256xbf16>
    %get3A_75 = arith.constant 0 : index
    %get3A_76 = arith.constant 0 : index
    %get3A_77 = vector.load %arg12[%get3A_75, %get3A_76] : memref<256x128xf32, #tpu.memory_space<vmem>>, vector<256x128xf32>
    %convert_element_type3A_78 = arith.truncf %get3A_77 : vector<256x128xf32> to vector<256x128xbf16>
    %dot_general3A_79 = arith.constant dense<0.000000e+00> : vector<4096x128xf32>
    %dot_general3A_80 = tpu.matmul %convert_element_type3A_74, %convert_element_type3A_78, %dot_general3A_79 {dimension_numbers = #tpu.dot_dimension_numbers<[1], [0], [0], [1], [0, 0, 1, 1], [], []>, transpose_lhs_hint = false} : vector<4096x256xbf16>, vector<256x128xbf16>, vector<4096x128xf32> -> vector<4096x128xf32>
    %get3A_81 = arith.constant 0 : index
    %get3A_82 = arith.constant 0 : index
    %get3A_83 = vector.load %arg13[%get3A_81, %get3A_82] : memref<1x128xf32, #tpu.memory_space<vmem>>, vector<1x128xf32>
    %add3A_84 = vector.broadcast %get3A_83 : vector<1x128xf32> to vector<4096x128xf32>
    %add3A_85 = arith.addf %dot_general3A_80, %add3A_84 : vector<4096x128xf32>
    %max3A_86 = arith.constant 0.000000e+00 : f32
    %max3A_87 = vector.broadcast %max3A_86 : f32 to vector<4096x128xf32>
    %max3A_88 = arith.maximumf %add3A_85, %max3A_87 : vector<4096x128xf32>
    %convert_element_type3A_89 = arith.truncf %max3A_88 : vector<4096x128xf32> to vector<4096x128xbf16>
    %get3A_90 = arith.constant 0 : index
    %get3A_91 = arith.constant 0 : index
    %get3A_92 = vector.load %arg14[%get3A_90, %get3A_91] : memref<128x32xf32, #tpu.memory_space<vmem>>, vector<128x32xf32>
    %convert_element_type3A_93 = arith.truncf %get3A_92 : vector<128x32xf32> to vector<128x32xbf16>
    %dot_general3A_94 = arith.constant dense<0.000000e+00> : vector<4096x32xf32>
    %dot_general3A_95 = tpu.matmul %convert_element_type3A_89, %convert_element_type3A_93, %dot_general3A_94 {dimension_numbers = #tpu.dot_dimension_numbers<[1], [0], [0], [1], [0, 0, 1, 1], [], []>, transpose_lhs_hint = false} : vector<4096x128xbf16>, vector<128x32xbf16>, vector<4096x32xf32> -> vector<4096x32xf32>
    %get3A_96 = arith.constant 0 : index
    %get3A_97 = arith.constant 0 : index
    %get3A_98 = vector.load %arg15[%get3A_96, %get3A_97] : memref<1x32xf32, #tpu.memory_space<vmem>>, vector<1x32xf32>
    %add3A_99 = vector.broadcast %get3A_98 : vector<1x32xf32> to vector<4096x32xf32>
    %add3A_100 = arith.addf %dot_general3A_95, %add3A_99 : vector<4096x32xf32>
    %transpose3A = tpu.transpose %add3A_100, [1, 0] : vector<4096x32xf32> -> vector<32x4096xf32>
    %swap3A = arith.constant 0 : index
    %swap3A_101 = arith.constant 0 : index
    %swap3A_102 = vector.load %arg16[%swap3A, %swap3A_101] : memref<32x4096xf32, #tpu.memory_space<vmem>>, vector<32x4096xf32>
    tpu.vector_store %arg16[%swap3A, %swap3A_101], %transpose3A {strides = array<i32>} : memref<32x4096xf32, #tpu.memory_space<vmem>>, vector<32x4096xf32>,
    return
  }
  func.func @transform_0(%arg0: i32) -> (i32, i32) {
    %c0_i32 = arith.constant 0 : i32
    %c0_i32_0 = arith.constant 0 : i32
    return %arg0, %c0_i32 : i32, i32
  }
  func.func @transform_1(%arg0: i32) -> i32 {
    %c0_i32 = arith.constant 0 : i32
    return %arg0 : i32
  }
  func.func @transform_2(%arg0: i32) -> i32 {
    %c0_i32 = arith.constant 0 : i32
    return %arg0 : i32
  }
  func.func @transform_3(%arg0: i32) -> i32 {
    %c0_i32 = arith.constant 0 : i32
    return %arg0 : i32
  }
  func.func @transform_4(%arg0: i32) -> i32 {
    %c0_i32 = arith.constant 0 : i32
    return %arg0 : i32
  }
  func.func @transform_5(%arg0: i32) -> (i32, i32) {
    %c0_i32 = arith.constant 0 : i32
    %c0_i32_0 = arith.constant 0 : i32
    %c0_i32_1 = arith.constant 0 : i32
    return %c0_i32, %c0_i32_0 : i32, i32
  }
  func.func @transform_6(%arg0: i32) -> (i32, i32) {
    %c0_i32 = arith.constant 0 : i32
    %c0_i32_0 = arith.constant 0 : i32
    %c0_i32_1 = arith.constant 0 : i32
    return %c0_i32, %c0_i32_0 : i32, i32
  }
  func.func @transform_7(%arg0: i32) -> (i32, i32) {
    %c0_i32 = arith.constant 0 : i32
    %c0_i32_0 = arith.constant 0 : i32
    %c0_i32_1 = arith.constant 0 : i32
    return %c0_i32, %c0_i32_0 : i32, i32
  }
  func.func @transform_8(%arg0: i32) -> (i32, i32) {
    %c0_i32 = arith.constant 0 : i32
    %c0_i32_0 = arith.constant 0 : i32
    %c0_i32_1 = arith.constant 0 : i32
    return %c0_i32, %c0_i32_0 : i32, i32
  }
  func.func @transform_9(%arg0: i32) -> (i32, i32) {
    %c0_i32 = arith.constant 0 : i32
    %c0_i32_0 = arith.constant 0 : i32
    %c0_i32_1 = arith.constant 0 : i32
    return %c0_i32, %c0_i32_0 : i32, i32
  }
  func.func @transform_10(%arg0: i32) -> (i32, i32) {
    %c0_i32 = arith.constant 0 : i32
    %c0_i32_0 = arith.constant 0 : i32
    %c0_i32_1 = arith.constant 0 : i32
    return %c0_i32, %c0_i32_0 : i32, i32
  }
  func.func @transform_11(%arg0: i32) -> (i32, i32) {
    %c0_i32 = arith.constant 0 : i32
    %c0_i32_0 = arith.constant 0 : i32
    %c0_i32_1 = arith.constant 0 : i32
    return %c0_i32, %c0_i32_0 : i32, i32
  }
  func.func @transform_12(%arg0: i32) -> (i32, i32) {
    %c0_i32 = arith.constant 0 : i32
    %c0_i32_0 = arith.constant 0 : i32
    %c0_i32_1 = arith.constant 0 : i32
    return %c0_i32, %c0_i32_0 : i32, i32
  }
  func.func @transform_13(%arg0: i32) -> (i32, i32) {
    %c0_i32 = arith.constant 0 : i32
    %c0_i32_0 = arith.constant 0 : i32
    %c0_i32_1 = arith.constant 0 : i32
    return %c0_i32, %c0_i32_0 : i32, i32
  }
  func.func @transform_14(%arg0: i32) -> (i32, i32) {
    %c0_i32 = arith.constant 0 : i32
    %c0_i32_0 = arith.constant 0 : i32
    %c0_i32_1 = arith.constant 0 : i32
    return %c0_i32, %c0_i32_0 : i32, i32
  }
  func.func @transform_15(%arg0: i32) -> (i32, i32) {
    %c0_i32 = arith.constant 0 : i32
    %c0_i32_0 = arith.constant 0 : i32
    return %c0_i32, %arg0 : i32, i32
  }
}

</mosaic_0001>

<sc_bundles>
// kernel: kernel.5.cloned.1.call-start
scs
__scs_entry_jumppad:
0x0: {  	(pc) =	sbr.rel $0x88, $3  }
0x1: {  	(tag) =	ssettag $0x0;
	lr =	simm.s32 $0x1  }
0x2: {  	[smem:$0x3F91] =	sst lr;
	_ =	strace $0xD0000000  }
0x3: {  	_ = 	snop  }
0x4: {  	_ = 	snop  }
0x5: {  	_ = 	snop  }
0x6: {  	_ = 	snop  }
0x7: {  	_ = 	snop  }
__scs_overlays_trampoline_lowered:
0x8: {  	[smem:$0x3FA0] =	sst s0  }
0x9: {  	[smem:$0x3FA1] =	sst s1  }
0xa: {  	[smem:$0x3FA2] =	sst s2  }
0xb: {  	[smem:$0x3FA3] =	sst s3  }
0xc: {  	[smem:$0x3FA4] =	sst s4  }
0xd: {  	[smem:$0x3FA5] =	sst s5  }
0xe: {  	[smem:$0x3FA6] =	sst s6  }
0xf: {  	[smem:$0x3FA7] =	sst s7  }
0x10: {  	[smem:$0x3FA8] =	sst s8  }
0x11: {  	[smem:$0x3FA9] =	sst s9;
	s0 =	simm.s32 @!p0 $0x0  }
0x12: {  	s1 =	sld [smem:$0x3F8F];
	s0 =	simm.s32 @p0 $0x1  }
0x13: {  	[smem:$0x3FAA] =	sst s0;
	s0 =	simm.s32 @!p1 $0x0  }
0x14: {  	s2 =	sld [smem:$0x3F8E];
	s0 =	simm.s32 @p1 $0x1  }
0x15: {  	[smem:$0x3FAB] =	sst s0;
	s0 =	simm.s32 @!p2 $0x0  }
0x16: {  	s3 =	sld [smem:$0x3FDB];
	s0 =	simm.s32 @p2 $0x1  }
0x17: {  	s4 =	simm.s32 $0x1BF5;
	[smem:$0x3FAD] =	sst s0  }
0x18: {  	s0 =	sld [smem:$0x3F90];
	_ =	swait.ge [sflag:s4], $0x0  }
0x19: {  	s7 =	sld [smem:$0x3F91]  }
0x1a: {  	s8 =	sadd.s32 $0xFFFFE003, lr  }
0x1b: {  	s9 =	sadd.s32 $0xFFFFFEF7, lr;
	s5 =	simm.s32 $0xFFFFFFFF;
	p2 =	slt.u32 s8, $0xFFFFF086  }
0x1c: {  	p1 =	slt.u32 s9, $0xF7A;
	s5 =	simm.s32 @!p2 $0x0  }
0x1d: {  	s5 =	simm.s32 @p1 $0x1;
	p0 =	seq.s32 s7, s2  }
0x1e: {  	s7 =	smul.u32 @!p0 $0xF7A, s2;
	p2 =	seq.s32 @!p0 s5, $0x0  }
0x1f: {  	s9 =	smul.u32 $0xF7A, s1;
	s8 =	simm.s32 @!p0 $0x1BF5;
	p2 =	por !p2, p0  }
0x20: {  	[sflag:s8] =	ssyncset.s32 @!p0 $0xFFFFF086;
	s6 =	sadd.s32 @!p0 s3, s7;
	s7 =	simm.s32 @!p0 $0x108  }
0x21: {  	s3 =	sadd.s32 s3, s9;
	s6 =	sadd.s32 @!p0 $0x88, s6;
	s7 =	simm.s32 @p2 $0x1082  }
0x22: {  	[simem:s7], [sflag:s8] =	dma.local @!p0 [hbm:s6], $0xF7A  }
0x23: {  	s9 =	sor.u32 $0xD0000000, s2;
	s6 =	simm.s32 $0x108;
	_ =	swait.ge @!p0 [sflag:s8], $0x0  }
0x24: {  	s3 =	sadd.s32 $0x88, s3;
	s6 =	simm.s32 @!p1 $0x1082;
	[sflag:s4] =	ssyncset.s32 $0xFFFFF086  }
0x25: {  	[simem:s6], [sflag:s4] =	dma.local [hbm:s3], $0xF7A  }
0x26: {  	[smem:$0x3F91] =	sst s1;
	(tag) =	ssettag s2;
	_ =	strace s9  }
0x27: {  	s1 =	sld [smem:$0x3FA1]  }
0x28: {  	s2 =	sld [smem:$0x3FA2]  }
0x29: {  	s4 =	sld [smem:$0x3FA4]  }
0x2a: {  	p0 =	seq.s32 s5, $0x0;
	s5 =	sld [smem:$0x3FA5]  }
0x2b: {  	s6 =	sld [smem:$0x3FA6]  }
0x2c: {  	s7 =	sld [smem:$0x3FA7]  }
0x2d: {  	s3 =	simm.s32 $0x108;
	s8 =	sld [smem:$0x3FA8]  }
0x2e: {  	s3 =	simm.s32 @!p0 $0x1082;
	s9 =	sld [smem:$0x3FA9]  }
0x2f: {  	lr =	sadd.s32 s0, s3;
	s0 =	sld [smem:$0x3FA0]  }
0x30: {  	s3 =	sld [smem:$0x3FA3]  }
0x31: {  	[smem:$0x3FAC] =	sst s10  }
0x32: {  	s10 =	sld [smem:$0x3FAA];
	_ =	sdelay $0x3  }
0x33: {  	p0 =	seq.s32 s10, $0x1;
	s10 =	sld [smem:$0x3FAC];
	_ =	sdelay $0x3  }
0x34: {  	[smem:$0x3FAC] =	sst s10  }
0x35: {  	s10 =	sld [smem:$0x3FAB];
	_ =	sdelay $0x3  }
0x36: {  	p1 =	seq.s32 s10, $0x1;
	s10 =	sld [smem:$0x3FAC];
	_ =	sdelay $0x3  }
0x37: {  	[smem:$0x3FAC] =	sst s10  }
0x38: {  	s10 =	sld [smem:$0x3FAD]  }
0x39: {  	_ = 	snop;
	(pc) =	sbr.ind lr, $3  }
0x3a: {  	_ = 	snop  }
0x3b: {  	_ = 	snop  }
0x3c: {  	p2 =	seq.s32 s10, $0x1;
	s10 =	sld [smem:$0x3FAC]  }
0x3d: {  	_ =	shalt  }
0x3e: {  	_ =	shalt  }
0x3f: {  	_ =	shalt  }
0x40: {  	_ =	shalt  }
0x41: {  	_ =	shalt  }
0x42: {  	_ =	shalt  }
0x43: {  	_ =	shalt  }
0x44: {  	_ =	shalt  }
0x45: {  	_ =	shalt  }
0x46: {  	_ =	shalt  }
0x47: {  	_ =	shalt  }
0x48: {  	_ =	shalt  }
0x49: {  	_ =	shalt  }
0x4a: {  	_ =	shalt  }
0x4b: {  	_ =	shalt  }
0x4c: {  	_ =	shalt  }
0x4d: {  	_ =	shalt  }
0x4e: {  	_ =	shalt  }
0x4f: {  	_ =	shalt  }
0x50: {  	_ =	shalt  }
0x51: {  	_ =	shalt  }
0x52: {  	_ =	shalt  }
0x53: {  	_ =	shalt  }
0x54: {  	_ =	shalt  }
0x55: {  	_ =	shalt  }
0x56: {  	_ =	shalt  }
0x57: {  	_ =	shalt  }
0x58: {  	_ =	shalt  }
0x59: {  	_ =	shalt  }
0x5a: {  	_ =	shalt  }
0x5b: {  	_ =	shalt  }
0x5c: {  	_ =	shalt  }
0x5d: {  	_ =	shalt  }
0x5e: {  	_ =	shalt  }
0x5f: {  	_ =	shalt  }
0x60: {  	_ =	shalt  }
0x61: {  	_ =	shalt  }
0x62: {  	_ =	shalt  }
0x63: {  	_ =	shalt  }
0x64: {  	_ =	shalt  }
0x65: {  	_ =	shalt  }
0x66: {  	_ =	shalt  }
0x67: {  	_ =	shalt  }
0x68: {  	_ =	shalt  }
0x69: {  	_ =	shalt  }
0x6a: {  	_ =	shalt  }
0x6b: {  	_ =	shalt  }
0x6c: {  	_ =	shalt  }
0x6d: {  	_ =	shalt  }
0x6e: {  	_ =	shalt  }
0x6f: {  	_ =	shalt  }
0x70: {  	_ =	shalt  }
0x71: {  	_ =	shalt  }
0x72: {  	_ =	shalt  }
0x73: {  	_ =	shalt  }
0x74: {  	_ =	shalt  }
0x75: {  	_ =	shalt  }
0x76: {  	_ =	shalt  }
0x77: {  	_ =	shalt  }
0x78: {  	_ =	shalt  }
0x79: {  	_ =	shalt  }
0x7a: {  	_ =	shalt  }
0x7b: {  	_ =	shalt  }
0x7c: {  	_ =	shalt  }
0x7d: {  	_ =	shalt  }
0x7e: {  	_ =	shalt  }
0x7f: {  	_ =	shalt  }
0x80: {  	_ =	shalt  }
0x81: {  	_ =	shalt  }
0x82: {  	_ =	shalt  }
0x83: {  	_ =	shalt  }
0x84: {  	_ =	shalt  }
0x85: {  	_ =	shalt  }
0x86: {  	_ =	shalt  }
0x87: {  	_ =	shalt  }
.Lfunc_end0:
.L_simem_size_0:
called_computation_lowered:
.L_overlay_start_0:
0x88: {  	s2 =	sld [smem:$0x3FD9]  }
0x89: {  	s3 =	sld [smem:$0x3FFE];
	_ =	sdelay $0x1  }
0x8a: {  	s1 =	srdreg.scid  }
0x8b: {  	s0 =	sand.u32 $0x1, s1  }
0x8c: {  	s17 =	sshll.u32 s0, $0xA;
	s2 =	sadd.s32 s3, s2  }
0x8d: {  	s2 =	sadd.s32 s2, s17  }
0x8e: {  	[smem:$0x3FB8] =	sst s2  }
0x8f: {  	_ = 	snop  }
0x90: {  	s2 =	sld [smem:$0x3FC9];
	(tm) =	ssettm $0x1  }
0x91: {  	s18 =	sld [smem:$0x3FFB];
	_ =	sdelay $0x3  }
0x92: {  	_ =	strace s18  }
0x93: {  	s3 =	sld [smem:$0x3FFC];
	_ =	sdelay $0x3  }
0x94: {  	_ =	strace s3  }
0x95: {  	s3 =	sld [smem:$0x3FFD];
	_ =	sdelay $0x3  }
0x96: {  	_ =	strace s3  }
0x97: {  	_ =	strace $0x8FFFFFFF  }
0x98: {  	s19 =	sld [smem:$0x3FDB];
	_ =	sdelay $0x1  }
0x99: {  	s4 =	simm.s32 $_scs_section_size  }
0x9a: {  	s5 =	simm.s32 $_size__tile_overlayer_lowered;
	s6 =	simm.s32 $_tile_overlayer_lowered  }
0x9b: {  	s22 =	simm.s32 $0x1BFF;
	s21 =	sshll.u32 s6, $0x1;
	s3 =	sadd.s32 s4, s19  }
0x9c: {  	s7 =	simm.s32 $0x0;
	s20 =	sshll.u32 s5, $0x1;
	s5 =	sadd.s32 s21, s3  }
0x9d: {  	[timem:s7], [sflag:s22] =	dma.local [hbm:s5], s20  }
0x9e: {  	_ =	swait.ge [sflag:s22], s20  }
0x9f: {  	s4 =	ssub.s32 $0x0, s20;
	[sflag:s22] =	ssyncset.done $0x0  }
0xa0: {  	[sflag:s22] =	ssyncadd.s32 s4;
	_ =	sdelay $0x1  }
0xa1: {  	s23 =	simm.s32 $0x1B8B  }
0xa2: {  	_ =	swait.ge [sflag:s23], $0x1  }
0xa3: {  	[sflag:s23] =	ssyncset.done $0x0  }
0xa4: {  	s25 =	simm.s32 $0x1B8E;
	s24 =	sld [smem:$0x3FFE];
	[sflag:s23] =	ssyncadd.s32 $0xFFFFFFFF  }
0xa5: {  	s26 =	simm.s32 $execute0_lowered;
	[smem:$0x3FD2] =	sst s25  }
0xa6: {  	s5 =	sshll.u32 s26, $0x1;
	_ =	strace $0x80000046;
	[dreg:$0x1] =	wrdreg $0xFFFFFFFF  }
0xa7: {  	s28 =	simm.s32 $_size_execute0_lowered;
	s3 =	sadd.s32 s3, s5;
	[dreg:$0x0] =	wrdreg $0x0  }
0xa8: {  	s5 =	sshll.u32 s28, $0x1;
	[dreg:$0x2] =	wrdreg s3  }
0xa9: {  	[dreg:$0x3] =	wrdreg s5  }
0xaa: {  	[dreg:$0x4] =	wrdreg $0xC0  }
0xab: {  	_ =	task [dreg:s7], $0x5FFFF  }
0xac: {  	[dreg:$0x1] =	wrdreg $0xFFFFFFFF  }
0xad: {  	[dreg:$0x0] =	wrdreg $0x60  }
0xae: {  	[dreg:$0x2] =	wrdreg s24  }
0xaf: {  	[dreg:$0x3] =	wrdreg s2  }
0xb0: {  	[dreg:$0x4] =	wrdreg $0x9  }
0xb1: {  	_ =	task.clear_ibuf [dreg:s7], $0x5FFFF;
	_ =	strace $0x90000046  }
0xb2: {  	s29 =	simm.s32 $0x9;
	_ =	strace $0x80000048  }
0xb3: {  	_ =	swait.ge [sflag:s29], $0x1  }
0xb4: {  	[sflag:s29] =	ssyncadd.s32 $0xFFFFFFFF  }
0xb5: {  	_ =	strace $0x90000048  }
0xb6: {  	_ =	sfence  }
0xb7: {  	s30 =	sld [smem:$0x0];
	_ =	sdelay $0x2  }
0xb8: {  	s31 =	sshll.u32 s1, $0xD;
	s1 =	sshrl.u32 s1, $0x2  }
0xb9: {  	s3 =	sand.u32 $0x4000, s31;
	s1 =	sadd.s32 s1, s30  }
0xba: {  	s0 =	sor.u32 s3, s0;
	s1 =	sshll.u32 s1, $0x11  }
0xbb: {  	s0 =	sor.u32 s1, s0  }
0xbc: {  	s0 =	sadd.s32 $0x8F2B, s0  }
0xbd: {  	[sflag:s0] =	ssyncadd.remote.s32 $0x1  }
0xbe: {  	_ =	sfence.sel $0xFFFF  }
0xbf: {  	[dreg:$0x0] =	wrdreg $0xFFFFFFFF;
	(pc) =	sbr.abs _section_cstart, $3  }
0xc0: {  	[dreg:$0x1] =	wrdreg $0xFFFFFFFF  }
0xc1: {  	_ =	task.clear_ibuf [dreg:s7], $0x2FFFF;
	_ =	strace $0x9FFFFFFF  }
0xc2: {  	(tm) =	ssettm $0x7FFFFFFF  }
0xc3: {  	_ =	shalt  }
tec
execute0_lowered:
.L_overlay_start_1:
0x0: {  	(tag) =	ssettag $0x1  }
0x1: {  	s4 =	rddreg [dreg:$0x0]  }
0x2: {  	s5 =	rddreg [dreg:$0x1]  }
0x3: {  	s0 =	rddreg [dreg:$0x2];
	s2 =	simm.s32 $0x0;
	s3 =	srdreg.scid  }
0x4: {  	s1 =	stileid.u32;
	s10 =	simm.s32 $0x0;
	s6 =	sand.u32 $0x1, s3  }
0x5: {  	[smem:$0x7FF] =	sst s2;
	s7 =	sshll.u32 s1, $0xA;
	s8 =	sshll.u32 s6, $0x9  }
0x6: {  	s3 =	sadd.s32 $0x2400, s4;
	s6 =	ssub.s32 $0x2, s6;
	s7 =	sor.u32 s8, s7  }
0x7: {  	_ =	strace $0x80000047;
	s9 =	sshrl.u32 s6, $0x1;
	s8 =	sshll.u32 s7, $0x4  }
0x8: {  	s7 =	sshrl.u32 s7, $0x3;
	s6 =	ssub.s32 s6, s9;
	s9 =	simm.s32 $0x280  }
0x9: {  	s8 =	sadd.s32 s8, s4;
	s4 =	sadd.s32 s5, s7;
	s6 =	smax.u32 s6, $0x1  }
0xa: {  	s7 =	simm.s32 $0x2;
	s5 =	sadd.s32 $0x189000, s8;
	s8 =	simm.s32 $0x1  }
.LBB2_1:
0xb: {  	[tilespmem:s2], [sflag:$0x2] =	stream.linear.gather [hbm4b:s4+s2], $0x200, $0x38;
	[tilespmem:$0x10280] =	vst v63  }
0xc: {  	_ =	swait.ge [sflag:s7], $0x200  }
0xd: {  	[sflag:s7] =	ssyncset.done $0x0  }
0xe: {  	[sflag:s7] =	ssyncadd.s32 $0xFFFFFE00  }
0xf: {  	v0 =	vld [tilespmem:s2+$0x0];
	_ =	sdelay $0x4  }
0x10: {  	v0 =	vshll.u32 v0, $0x4  }
0x11: {  	(v2sf) =	vpush v0, $0x0  }
0x12: {  	(v2sf) =	vpush v0, $0x1  }
0x13: {  	(v2sf) =	vpush v0, $0x2;
	_ =	sdelay $0x1  }
0x14: {  	(v2sf) =	vpush v0, $0x4;
	_ =	sdelay $0x1  }
0x15: {  	(v2sf) =	vpush v0, $0x3  }
0x16: {  	(v2sf) =	vpush v0, $0x5  }
0x17: {  	s12 =	simm.s32 $0x2000;
	s11 =	simm.s32 $0x0;
	s13 =	simm.s32 $0x0;
	(v2sf) =	vpush v0, $0x6  }
.LBB2_2:
0x18: {  	p0 =	sne.s32 s12, $0x3E000  }
0x19: {  	s23 =	sadd.s32 $0x300, s11;
	s17 =	sadd.s32 $0x800, s11;
	s14 =	smov.u32 s12  }
0x1a: {  	s12 =	sadd.s32 $0x2000, s12;
	s20 =	sadd.s32 $0x600, s11;
	s15 =	sadd.s32 $0x880, s11;
	(v2sf) =	vpush v0, $0x7  }
0x1b: {  	s22 =	sadd.s32 $0x500, s11;
	s19 =	sadd.s32 $0x680, s11;
	s16 =	sadd.s32 $0x900, s11  }
0x1c: {  	s24 =	sadd.s32 $0x280, s11;
	s25 =	sadd.s32 $0x480, s11;
	(v2sf) =	vpush v0, $0x8  }
0x1d: {  	s26 =	sadd.s32 $0x580, s11;
	s13 =	sadd.s32 $0x10, s13  }
0x1e: {  	s28 =	sadd.s32 $0x380, s11;
	s18 =	sadd.s32 $0x780, s11;
	s21 =	spop (v2sf);
	(v2sf) =	vpush v0, $0x9  }
0x1f: {  	s29 =	sand.u32 $0x1FFFFFF0, s21;
	s21 =	sadd.s32 $0x700, s11;
	s30 =	spop (v2sf)  }
0x20: {  	s29 =	sadd.s32 s3, s29;
	s30 =	sand.u32 $0x1FFFFFF0, s30;
	s31 =	spop (v2sf);
	(v2sf) =	vpush v0, $0xA  }
0x21: {  	[tilespmem:s24], [sflag:$0x1] =	stream.linear.gather [hbm4b:s29+s2], $0x80, $0x38;
	[tilespmem:$0x10280] =	vst v63  }
0x22: {  	s24 =	sadd.s32 s3, s30;
	s29 =	sadd.s32 $0x400, s11;
	s30 =	spop (v2sf);
	(v2sf) =	vpush v0, $0xB  }
0x23: {  	[tilespmem:s23], [sflag:$0x1] =	stream.linear.gather [hbm4b:s24+s2], $0x80, $0x38;
	[tilespmem:$0x10280] =	vst v63  }
0x24: {  	s23 =	sand.u32 $0x1FFFFFF0, s31;
	s24 =	sand.u32 $0x1FFFFFF0, s30;
	s30 =	spop (v2sf);
	(v2sf) =	vpush v0, $0xC  }
0x25: {  	s23 =	sadd.s32 s3, s23;
	s30 =	sand.u32 $0x1FFFFFF0, s30;
	s31 =	spop (v2sf)  }
0x26: {  	[tilespmem:s28], [sflag:$0x1] =	stream.linear.gather [hbm4b:s23+s2], $0x80, $0x38;
	(v2sf) =	vpush v0, $0xD;
	[tilespmem:$0x10280] =	vst v63  }
0x27: {  	s23 =	sadd.s32 s3, s30;
	s28 =	sand.u32 $0x1FFFFFF0, s31;
	s30 =	spop (v2sf)  }
0x28: {  	[tilespmem:s29], [sflag:$0x1] =	stream.linear.gather [hbm4b:s23+s2], $0x80, $0x38;
	(v2sf) =	vpush v0, $0xE;
	[tilespmem:$0x10280] =	vst v63  }
0x29: {  	s23 =	sadd.s32 s3, s24;
	s24 =	sand.u32 $0x1FFFFFF0, s30;
	s29 =	spop (v2sf)  }
0x2a: {  	[tilespmem:s25], [sflag:$0x1] =	stream.linear.gather [hbm4b:s23+s2], $0x80, $0x38;
	(v2sf) =	vpush v0, $0xF;
	[tilespmem:$0x10280] =	vst v63  }
0x2b: {  	s23 =	sadd.s32 s3, s28;
	s25 =	sand.u32 $0x1FFFFFF0, s29;
	s28 =	spop (v2sf)  }
0x2c: {  	[tilespmem:s22], [sflag:$0x1] =	stream.linear.gather [hbm4b:s23+s2], $0x80, $0x38;
	[tilespmem:$0x10280] =	vst v63  }
0x2d: {  	s22 =	sadd.s32 s3, s24;
	s23 =	sand.u32 $0x1FFFFFF0, s28;
	s24 =	spop (v2sf)  }
0x2e: {  	[tilespmem:s26], [sflag:$0x1] =	stream.linear.gather [hbm4b:s22+s2], $0x80, $0x38;
	[tilespmem:$0x10280] =	vst v63  }
0x2f: {  	s22 =	sadd.s32 s3, s25;
	s24 =	sand.u32 $0x1FFFFFF0, s24;
	s25 =	spop (v2sf)  }
0x30: {  	[tilespmem:s20], [sflag:$0x1] =	stream.linear.gather [hbm4b:s22+s2], $0x80, $0x38;
	[tilespmem:$0x10280] =	vst v63  }
0x31: {  	s20 =	sadd.s32 s3, s23;
	s22 =	sand.u32 $0x1FFFFFF0, s25;
	s23 =	spop (v2sf)  }
0x32: {  	[tilespmem:s19], [sflag:$0x1] =	stream.linear.gather [hbm4b:s20+s2], $0x80, $0x38;
	[tilespmem:$0x10280] =	vst v63  }
0x33: {  	s19 =	sadd.s32 s3, s24;
	s20 =	sand.u32 $0x1FFFFFF0, s23;
	s23 =	spop (v2sf)  }
0x34: {  	[tilespmem:s21], [sflag:$0x1] =	stream.linear.gather [hbm4b:s19+s2], $0x80, $0x38;
	[tilespmem:$0x10280] =	vst v63  }
0x35: {  	s19 =	sadd.s32 s3, s22;
	s21 =	sand.u32 $0x1FFFFFF0, s23;
	s22 =	spop (v2sf)  }
0x36: {  	[tilespmem:s18], [sflag:$0x1] =	stream.linear.gather [hbm4b:s19+s2], $0x80, $0x38;
	[tilespmem:$0x10280] =	vst v63  }
0x37: {  	s18 =	sadd.s32 s3, s20;
	s19 =	sand.u32 $0x1FFFFFF0, s22;
	s20 =	spop (v2sf)  }
0x38: {  	[tilespmem:s17], [sflag:$0x1] =	stream.linear.gather [hbm4b:s18+s2], $0x80, $0x38;
	[tilespmem:$0x10280] =	vst v63  }
0x39: {  	s17 =	sadd.s32 s3, s21;
	s18 =	sand.u32 $0x1FFFFFF0, s20;
	s20 =	spop (v2sf)  }
0x3a: {  	[tilespmem:s15], [sflag:$0x1] =	stream.linear.gather [hbm4b:s17+s2], $0x80, $0x38;
	[tilespmem:$0x10280] =	vst v63  }
0x3b: {  	s15 =	sadd.s32 s3, s19;
	s17 =	sand.u32 $0x1FFFFFF0, s20  }
0x3c: {  	[tilespmem:s16], [sflag:$0x1] =	stream.linear.gather [hbm4b:s15+s2], $0x80, $0x38;
	[tilespmem:$0x10280] =	vst v63  }
0x3d: {  	s15 =	sadd.s32 $0x980, s11;
	s16 =	sadd.s32 s3, s18  }
0x3e: {  	[tilespmem:s15], [sflag:$0x1] =	stream.linear.gather [hbm4b:s16+s2], $0x80, $0x38;
	[tilespmem:$0x10280] =	vst v63  }
0x3f: {  	s11 =	sadd.s32 $0xA00, s11;
	s15 =	sadd.s32 s3, s17  }
0x40: {  	[tilespmem:s11], [sflag:$0x1] =	stream.linear.gather [hbm4b:s15+s2], $0x80, $0x38;
	[tilespmem:$0x10280] =	vst v63  }
0x41: {  	v0 =	vld [tilespmem:s13+$0x0];
	_ =	sdelay $0x4  }
0x42: {  	v0 =	vshll.u32 v0, $0x4  }
0x43: {  	(v2sf) =	vpush v0, $0x0  }
0x44: {  	(v2sf) =	vpush v0, $0x1  }
0x45: {  	(v2sf) =	vpush v0, $0x2;
	_ =	sdelay $0x1  }
0x46: {  	(v2sf) =	vpush v0, $0x4  }
.Ltmp0:
0x47: {  	(pc) =	sbr.rel @p0 .LBB2_2-.Ltmp0, $3  }
0x48: {  	(v2sf) =	vpush v0, $0x3  }
0x49: {  	(v2sf) =	vpush v0, $0x5;
	_ =	sdelay $0x1  }
0x4a: {  	s11 =	sshra.s32 s14, $0x2;
	(v2sf) =	vpush v0, $0x6  }
0x4b: {  	_ =	sdelay $0x1  }
0x4c: {  	s15 =	sadd.s32 $0x300, s11;
	s14 =	sadd.s32 $0x800, s11  }
0x4d: {  	s16 =	sadd.s32 $0x600, s11;
	s12 =	sadd.s32 $0x880, s11;
	(v2sf) =	vpush v0, $0x7;
	s17 =	sadd.s32 $0x500, s11  }
0x4e: {  	s18 =	sadd.s32 $0x680, s11;
	s13 =	sadd.s32 $0x900, s11;
	s19 =	sadd.s32 $0x280, s11  }
0x4f: {  	s20 =	sadd.s32 $0x480, s11;
	s21 =	sadd.s32 $0x580, s11;
	(v2sf) =	vpush v0, $0x8;
	s22 =	spop (v2sf)  }
0x50: {  	s23 =	sadd.s32 $0x380, s11;
	s22 =	sand.u32 $0x1FFFFFF0, s22;
	s24 =	spop (v2sf)  }
0x51: {  	(v2sf) =	vpush v0, $0x9;
	s22 =	sadd.s32 s3, s22;
	s24 =	sand.u32 $0x1FFFFFF0, s24;
	s25 =	spop (v2sf)  }
0x52: {  	[tilespmem:s19], [sflag:$0x1] =	stream.linear.gather [hbm4b:s22+s2], $0x80, $0x38;
	[tilespmem:$0x10280] =	vst v63  }
0x53: {  	s26 =	sadd.s32 $0x400, s11;
	(v2sf) =	vpush v0, $0xA;
	s30 =	sadd.s32 s3, s24;
	s31 =	spop (v2sf)  }
0x54: {  	[tilespmem:s15], [sflag:$0x1] =	stream.linear.gather [hbm4b:s30+s2], $0x80, $0x38;
	[tilespmem:$0x10280] =	vst v63  }
0x55: {  	s19 =	sadd.s32 $0x780, s11;
	s28 =	sand.u32 $0x1FFFFFF0, s25;
	(v2sf) =	vpush v0, $0xB;
	s29 =	spop (v2sf)  }
0x56: {  	s22 =	sadd.s32 s3, s28;
	s15 =	sadd.s32 $0x700, s11;
	s25 =	sand.u32 $0x1FFFFFF0, s29  }
0x57: {  	(v2sf) =	vpush v0, $0xC;
	[tilespmem:s23], [sflag:$0x1] =	stream.linear.gather [hbm4b:s22+s2], $0x80, $0x38;
	[tilespmem:$0x10280] =	vst v63  }
0x58: {  	s30 =	sand.u32 $0x1FFFFFF0, s31;
	s31 =	spop (v2sf);
	s28 =	sadd.s32 s3, s25  }
0x59: {  	(v2sf) =	vpush v0, $0xD;
	[tilespmem:s26], [sflag:$0x1] =	stream.linear.gather [hbm4b:s28+s2], $0x80, $0x38;
	[tilespmem:$0x10280] =	vst v63  }
0x5a: {  	s22 =	sadd.s32 s3, s30;
	s23 =	sand.u32 $0x1FFFFFF0, s31;
	s29 =	spop (v2sf)  }
0x5b: {  	(v2sf) =	vpush v0, $0xE;
	[tilespmem:s20], [sflag:$0x1] =	stream.linear.gather [hbm4b:s22+s2], $0x80, $0x38;
	[tilespmem:$0x10280] =	vst v63  }
0x5c: {  	s23 =	sadd.s32 s3, s23;
	s30 =	sand.u32 $0x1FFFFFF0, s29;
	s31 =	spop (v2sf)  }
0x5d: {  	(v2sf) =	vpush v0, $0xF;
	[tilespmem:s17], [sflag:$0x1] =	stream.linear.gather [hbm4b:s23+s2], $0x80, $0x38;
	[tilespmem:$0x10280] =	vst v63  }
0x5e: {  	s24 =	sand.u32 $0x1FFFFFF0, s31;
	s25 =	spop (v2sf);
	s20 =	sadd.s32 s3, s30  }
0x5f: {  	[tilespmem:s21], [sflag:$0x1] =	stream.linear.gather [hbm4b:s20+s2], $0x80, $0x38;
	[tilespmem:$0x10280] =	vst v63  }
0x60: {  	s26 =	sand.u32 $0x1FFFFFF0, s25;
	s17 =	sadd.s32 s3, s24;
	s28 =	spop (v2sf)  }
0x61: {  	[tilespmem:s16], [sflag:$0x1] =	stream.linear.gather [hbm4b:s17+s2], $0x80, $0x38;
	[tilespmem:$0x10280] =	vst v63  }
0x62: {  	s20 =	sadd.s32 s3, s26;
	s29 =	sand.u32 $0x1FFFFFF0, s28;
	s30 =	spop (v2sf)  }
0x63: {  	[tilespmem:s18], [sflag:$0x1] =	stream.linear.gather [hbm4b:s20+s2], $0x80, $0x38;
	[tilespmem:$0x10280] =	vst v63  }
0x64: {  	s17 =	sand.u32 $0x1FFFFFF0, s30;
	s16 =	sadd.s32 s3, s29;
	s31 =	spop (v2sf)  }
0x65: {  	[tilespmem:s15], [sflag:$0x1] =	stream.linear.gather [hbm4b:s16+s2], $0x80, $0x38;
	[tilespmem:$0x10280] =	vst v63  }
0x66: {  	s17 =	sadd.s32 s3, s17;
	s20 =	sand.u32 $0x1FFFFFF0, s31;
	s21 =	spop (v2sf)  }
0x67: {  	[tilespmem:s19], [sflag:$0x1] =	stream.linear.gather [hbm4b:s17+s2], $0x80, $0x38;
	[tilespmem:$0x10280] =	vst v63  }
0x68: {  	s15 =	sadd.s32 s3, s20;
	s16 =	sand.u32 $0x1FFFFFF0, s21;
	s22 =	spop (v2sf)  }
0x69: {  	[tilespmem:s14], [sflag:$0x1] =	stream.linear.gather [hbm4b:s15+s2], $0x80, $0x38;
	[tilespmem:$0x10280] =	vst v63  }
0x6a: {  	s23 =	sand.u32 $0x1FFFFFF0, s22;
	s16 =	sadd.s32 s3, s16;
	s24 =	spop (v2sf)  }
0x6b: {  	[tilespmem:s12], [sflag:$0x1] =	stream.linear.gather [hbm4b:s16+s2], $0x80, $0x38;
	[tilespmem:$0x10280] =	vst v63  }
0x6c: {  	s25 =	sand.u32 $0x1FFFFFF0, s24;
	s26 =	spop (v2sf);
	s14 =	sadd.s32 s3, s23  }
0x6d: {  	[tilespmem:s13], [sflag:$0x1] =	stream.linear.gather [hbm4b:s14+s2], $0x80, $0x38;
	[tilespmem:$0x10280] =	vst v63  }
0x6e: {  	s29 =	sadd.s32 $0x980, s11;
	s28 =	sand.u32 $0x1FFFFFF0, s26;
	s12 =	sadd.s32 s3, s25  }
0x6f: {  	[tilespmem:s29], [sflag:$0x1] =	stream.linear.gather [hbm4b:s12+s2], $0x80, $0x38;
	[tilespmem:$0x10280] =	vst v63  }
0x70: {  	s30 =	sadd.s32 $0xA00, s11;
	s31 =	sadd.s32 s3, s28  }
0x71: {  	[tilespmem:s30], [sflag:$0x1] =	stream.linear.gather [hbm4b:s31+s2], $0x80, $0x38;
	[tilespmem:$0x10280] =	vst v63  }
0x72: {  	s10 =	sadd.s32 $0x1, s10;
	_ =	swait.ge [sflag:s8], $0x10000  }
0x73: {  	p0 =	sne.s32 s10, s6;
	[sflag:s8] =	ssyncset.done $0x0  }
.Ltmp1:
0x74: {  	[sflag:s8] =	ssyncadd.s32 $0xFFFF0000;
	(pc) =	sbr.rel @p0 .LBB2_1-.Ltmp1, $4  }
0x75: {  	[hbm4b:s5+s2] =	stream.linear.scatter [tilespmem:s9], [sflag:$0x2], $0x10000, $0x38;
	[tilespmem:$0x10280] =	vst v63  }
0x76: {  	_ =	swait.ge [sflag:s7], $0x10000  }
0x77: {  	[sflag:s7] =	ssyncset.done $0x0  }
0x78: {  	[sflag:s7] =	ssyncadd.s32 $0xFFFF0000  }
0x79: {  	_ =	sfence.sel $0x180000  }
0x7a: {  	[bflag:$0x0] =	sbarrier.arrive $0xFFFF  }
0x7b: {  	p0 =	sne.s32 s1, $0x0;
	_ =	strace $0x90000047  }
0x7c: {  	s0 =	sadd.s32 @!p0 $0x100000, s0;
	[bflag:$0x2] =	sbarrier.arrive $0xFFFF  }
0x7d: {  	[sflag:s0] =	ssyncadd.tile.s32 @!p0 $0x1;
	_ =	shalt  }
.Lfunc_end2:
_tile_overlayer_lowered:
.L_overlay_start_2:
0x7e: {  	(tag) =	ssettag $0x2  }
0x7f: {  	s0 =	rddreg [dreg:$0x0];
	s2 =	stileid.u32  }
0x80: {  	s1 =	rddreg [dreg:$0x1];
	p0 =	sne.s32 s2, $0x0  }
0x81: {  	s3 =	rddreg [dreg:$0x2];
	[bflag:$0x3] =	sbarrier.arrive $0xFFFF;
	s2 =	simm.s32 @!p0 $0x1C02  }
0x82: {  	[timem:s3], [sflag:s2] =	dma.local @!p0 [hbm:s0], s1  }
0x83: {  	s0 =	simm.s32 @!p0 $0x2  }
0x84: {  	_ =	swait.ge @!p0 [sflag:s0], s1  }
0x85: {  	s1 =	ssub.s32 @!p0 $0x0, s1;
	[sflag:s0] =	ssyncset.done @!p0 $0x0  }
0x86: {  	[sflag:s0] =	ssyncadd.s32 @!p0 s1  }
0x87: {  	[bflag:$0x3] =	sbarrier.arrive $0xFFFF  }
0x88: {  	_ =	shalt  }

</sc_bundles>
